<compile_context>
chip_gen: v7x
topology: tpu7x:2x2x1
jax: 0.10.2.dev20260603
libtpu: 0.0.44.dev20260713+nightly
codegen_flags: <defaults>
</compile_context>

<pallas_src>
import jax
import jax.numpy as jnp
from jax import lax
from jax.experimental import pallas as pl
from jax.experimental.pallas import tpu as pltpu
from jax.experimental.pallas import tpu_sc as plsc

D_MODEL = 128
W = 128
WINDOWS = 200
GROUP = 3
BLOCK = 48
PHASES = 4
TAILW = WINDOWS - PHASES * BLOCK
NW = 32


def kernel(x, p2e):
    shp = x.shape
    idx = jnp.reshape(x, (NW, WINDOWS, W)).astype(jnp.int32)
    mesh = plsc.VectorSubcoreMesh(core_axis_name="core", subcore_axis_name="subcore")

    @pl.kernel(
        out_type=jax.ShapeDtypeStruct((NW, WINDOWS, W, D_MODEL), p2e.dtype),
        mesh=mesh,
        scratch_types=[
            pltpu.VMEM_SHARED(p2e.shape, p2e.dtype),
            pltpu.VMEM((BLOCK, W), jnp.int32),
            pltpu.VMEM((BLOCK, W), jnp.int32),
            pltpu.VMEM((W, D_MODEL), p2e.dtype),
            pltpu.VMEM((W, D_MODEL), p2e.dtype),
            pltpu.VMEM((W, D_MODEL), p2e.dtype),
            pltpu.SemaphoreType.DMA,
            pltpu.SemaphoreType.DMA,
            pltpu.SemaphoreType.DMA,
            pltpu.SemaphoreType.DMA,
            pltpu.SemaphoreType.DMA,
            pltpu.SemaphoreType.DMA,
            pltpu.SemaphoreType.DMA,
        ],
    )
    def gather_kernel(
        table_hbm, idx_hbm, out_hbm, table_spmem, ibuf0, ibuf1,
        buf0, buf1, buf2, g0, g1, g2, w0, w1, w2, isem,
    ):
        cid = lax.axis_index("core")
        sid = lax.axis_index("subcore")
        wid = sid * 2 + cid

        @pl.when(sid == 0)
        def _():
            pltpu.sync_copy(table_hbm, table_spmem)

        pltpu.sync_copy(idx_hbm.at[wid, pl.ds(0, BLOCK)], ibuf0)
        plsc.subcore_barrier()

        ibufs = (ibuf0, ibuf1)
        bufs = (buf0, buf1, buf2)
        gsems = (g0, g1, g2)
        wsems = (w0, w1, w2)
        srcs = (table_spmem, table_spmem, table_spmem)

        def start_gather(ib, r, b):
            return pltpu.async_copy(srcs[b].at[ib.at[r]], bufs[b], gsems[b])

        def wait_write(b):
            pltpu.make_async_copy(bufs[b], out_hbm.at[wid, 0], wsems[b]).wait()

        def start_write(s, b):
            pltpu.async_copy(bufs[b], out_hbm.at[wid, s], wsems[b])

        def do_group(ib, base_w, g, first):
            handles = []
            for b in range(GROUP):
                if not first:
                    wait_write(b)
                handles.append(start_gather(ib, g * GROUP + b, b))
            for b in range(GROUP):
                handles[b].wait()
                start_write(base_w + g * GROUP + b, b)

        for p in range(PHASES):
            ib = ibufs[p % 2]
            nxt = ibufs[(p + 1) % 2]
            if p < PHASES - 1:
                pltpu.async_copy(
                    idx_hbm.at[wid, pl.ds((p + 1) * BLOCK, BLOCK)], nxt, isem
                )
            else:
                pltpu.async_copy(
                    idx_hbm.at[wid, pl.ds(PHASES * BLOCK, TAILW)],
                    nxt.at[pl.ds(0, TAILW)],
                    isem,
                )
            if p > 0:
                pltpu.make_async_copy(
                    idx_hbm.at[wid, pl.ds(0, BLOCK)], ib, isem
                ).wait()

            if p == 0:
                do_group(ib, 0, 0, first=True)

                @pl.loop(1, BLOCK // GROUP)
                def _(g):
                    do_group(ib, 0, g, first=False)
            else:
                base_w = p * BLOCK

                @pl.loop(0, BLOCK // GROUP)
                def _(g, base_w=base_w, ib=ib):
                    do_group(ib, base_w, g, first=False)

        tail_ib = ibufs[PHASES % 2]
        pltpu.make_async_copy(
            idx_hbm.at[wid, pl.ds(0, TAILW)], tail_ib.at[pl.ds(0, TAILW)], isem
        ).wait()
        base_w = PHASES * BLOCK
        for g in range(2):
            do_group(tail_ib, base_w, g, first=False)
        tail_handles = {}
        for b, r in ((0, 6), (2, 7)):
            wait_write(b)
            tail_handles[b] = start_gather(tail_ib, r, b)
        for b, r in ((0, 6), (2, 7)):
            tail_handles[b].wait()
            start_write(base_w + r, b)

        for b in range(GROUP):
            wait_write(b)

    out = gather_kernel(p2e, idx)
    return jnp.reshape(out, shp + (D_MODEL,))

# --- scband reference (transcript-rebuilt; emitter-appended) ---
"""Pipeline reference for scband-positional-embedding-78305843740758 (READ-ONLY COPY).

The authoritative reference and input builder live on the scoring server;
editing this copy changes nothing except your own understanding.
"""

import jax, jax.numpy as jnp
import numpy as np
import math

MAX_LEN = 8192
D_MODEL = 128

def _build_p2e(max_len, d_model):
    position = np.arange(0.0, max_len)[:, None]
    div_term = np.exp(np.arange(0.0, d_model, 2) * (-math.log(10000.0) / d_model))
    p2e = np.zeros((max_len, d_model), dtype=np.float32)
    p2e[:, 0::2] = np.sin(position * div_term)
    p2e[:, 1::2] = np.cos(position * div_term)
    return jnp.asarray(p2e)

def setup_inputs(seed: int = 0) -> dict:
    key = jax.random.key(seed)
    x = jax.random.randint(key, (4096, 200), 0, MAX_LEN, dtype=jnp.int64) if jax.config.read('jax_enable_x64') else jax.random.randint(key, (4096, 200), 0, MAX_LEN, dtype=jnp.int32)
    p2e = _build_p2e(MAX_LEN, D_MODEL)
    return {"x": x, "p2e": p2e}

def reference(x, p2e):
    shp = x.shape
    flat = jnp.reshape(x, (-1,))
    emb = jnp.take(p2e, flat, axis=0)
    return jnp.reshape(emb, shp + (p2e.shape[1],))

if __name__ == "__main__":
    import jax
    _d = setup_inputs()
    print(jax.jit(kernel)(*tuple(_d.values())))

</pallas_src>

<mosaic_0001>
#map = affine_map<(d0, d1) -> (0, 0)>
#map1 = affine_map<(d0, d1) -> (0, 0, 0)>
#map2 = affine_map<(d0, d1) -> (0, 0, 0, 0)>
module attributes {stable_mosaic.version = 14 : i64} {
  func.func @gather_kernel(%arg0: i32, %arg1: i32, %arg2: memref<8192x128xf32, #tpu.memory_space<hbm>>, %arg3: memref<32x200x128xi32, #tpu.memory_space<hbm>>, %arg4: memref<32x200x128x128xf32, #tpu.memory_space<hbm>>, %arg5: memref<8192x128xf32, #tpu.memory_space<vmem_shared>>, %arg6: memref<48x128xi32, #tpu.memory_space<vmem>>, %arg7: memref<48x128xi32, #tpu.memory_space<vmem>>, %arg8: memref<128x128xf32, #tpu.memory_space<vmem>>, %arg9: memref<128x128xf32, #tpu.memory_space<vmem>>, %arg10: memref<128x128xf32, #tpu.memory_space<vmem>>, %arg11: memref<!tpu.dma_semaphore, #tpu.memory_space<semaphore_mem>>, %arg12: memref<!tpu.dma_semaphore, #tpu.memory_space<semaphore_mem>>, %arg13: memref<!tpu.dma_semaphore, #tpu.memory_space<semaphore_mem>>, %arg14: memref<!tpu.dma_semaphore, #tpu.memory_space<semaphore_mem>>, %arg15: memref<!tpu.dma_semaphore, #tpu.memory_space<semaphore_mem>>, %arg16: memref<!tpu.dma_semaphore, #tpu.memory_space<semaphore_mem>>, %arg17: memref<!tpu.dma_semaphore, #tpu.memory_space<semaphore_mem>>) attributes {dimension_semantics = [#tpu.dimension_semantics<core_parallel>, #tpu.dimension_semantics<subcore_parallel>], iteration_bounds = array<i64: 2, 16>, scalar_prefetch = 0 : i64, scratch_operands = 13 : i64, tpu.core_type = #tpu.core_type<sc_vector_subcore>, window_params = [{transform_indices = #map}, {transform_indices = #map1}, {transform_indices = #map2}]} {
    %mul3A = arith.constant 2 : i32
    %mul3A_0 = arith.muli %arg1, %mul3A : i32
    %add3A = arith.addi %mul3A_0, %arg0 : i32
    %eq3A = arith.constant 0 : i32
    %eq3A_1 = arith.cmpi eq, %arg1, %eq3A : i32
    %convert_element_type3A = arith.extui %eq3A_1 : i1 to i32
    %cond3A = arith.constant 0 : i32
    %cond3A_2 = arith.cmpi ne, %convert_element_type3A, %cond3A : i32
    scf.if %cond3A_2 {
      "tpu.region"() ({
        %run_scoped3A = tpu.sem_alloc : memref<!tpu.dma_semaphore, #tpu.memory_space<semaphore_mem>>
        tpu.enqueue_dma source(%arg2 : memref<8192x128xf32, #tpu.memory_space<hbm>>) target(%arg5 : memref<8192x128xf32, #tpu.memory_space<vmem_shared>>) target_semaphore(%run_scoped3A : memref<!tpu.dma_semaphore, #tpu.memory_space<semaphore_mem>>)
        tpu.wait_dma2 semaphore(%run_scoped3A : memref<!tpu.dma_semaphore, #tpu.memory_space<semaphore_mem>>) src(%arg2 : memref<8192x128xf32, #tpu.memory_space<hbm>>) dst(%arg5 : memref<8192x128xf32, #tpu.memory_space<vmem_shared>>)
        tpu.yield
      }) : () -> ()
    } else {
    }
    "tpu.region"() ({
      %run_scoped3A = tpu.sem_alloc : memref<!tpu.dma_semaphore, #tpu.memory_space<semaphore_mem>>
      %dma_start3A_448 = arith.constant 0 : i32
      %dma_start3A_449 = arith.constant 0 : i32
      %dma_start3A_450 = tpu.memref_slice %arg3[%add3A, %dma_start3A_448, %dma_start3A_449] : memref<32x200x128xi32, #tpu.memory_space<hbm>> -> memref<1x48x128xi32, #tpu.memory_space<hbm>>
      %dma_start3A_451 = tpu.memref_squeeze %dma_start3A_450 : memref<1x48x128xi32, #tpu.memory_space<hbm>> -> memref<48x128xi32, #tpu.memory_space<hbm>>
      %dma_start3A_452 = arith.constant 0 : i32
      %dma_start3A_453 = arith.constant 0 : i32
      %dma_start3A_454 = tpu.memref_slice %arg3[%add3A, %dma_start3A_452, %dma_start3A_453] : memref<32x200x128xi32, #tpu.memory_space<hbm>> -> memref<1x48x128xi32, #tpu.memory_space<hbm>>
      %dma_start3A_455 = tpu.memref_squeeze %dma_start3A_454 : memref<1x48x128xi32, #tpu.memory_space<hbm>> -> memref<48x128xi32, #tpu.memory_space<hbm>>
      tpu.enqueue_dma source(%dma_start3A_455 : memref<48x128xi32, #tpu.memory_space<hbm>>) target(%arg6 : memref<48x128xi32, #tpu.memory_space<vmem>>) target_semaphore(%run_scoped3A : memref<!tpu.dma_semaphore, #tpu.memory_space<semaphore_mem>>)
      %dma_wait3A_456 = arith.constant 0 : i32
      %dma_wait3A_457 = arith.constant 0 : i32
      %dma_wait3A_458 = tpu.memref_slice %arg3[%add3A, %dma_wait3A_456, %dma_wait3A_457] : memref<32x200x128xi32, #tpu.memory_space<hbm>> -> memref<1x48x128xi32, #tpu.memory_space<hbm>>
      %dma_wait3A_459 = tpu.memref_squeeze %dma_wait3A_458 : memref<1x48x128xi32, #tpu.memory_space<hbm>> -> memref<48x128xi32, #tpu.memory_space<hbm>>
      %dma_wait3A_460 = arith.constant 0 : i32
      %dma_wait3A_461 = arith.constant 0 : i32
      %dma_wait3A_462 = tpu.memref_slice %arg3[%add3A, %dma_wait3A_460, %dma_wait3A_461] : memref<32x200x128xi32, #tpu.memory_space<hbm>> -> memref<1x48x128xi32, #tpu.memory_space<hbm>>
      %dma_wait3A_463 = tpu.memref_squeeze %dma_wait3A_462 : memref<1x48x128xi32, #tpu.memory_space<hbm>> -> memref<48x128xi32, #tpu.memory_space<hbm>>
      tpu.wait_dma2 semaphore(%run_scoped3A : memref<!tpu.dma_semaphore, #tpu.memory_space<semaphore_mem>>) src(%dma_wait3A_463 : memref<48x128xi32, #tpu.memory_space<hbm>>) dst(%arg6 : memref<48x128xi32, #tpu.memory_space<vmem>>)
      tpu.yield
    }) : () -> ()
    %barrier3A = arith.constant 0 : index
    tpu.barrier barrier_id(%barrier3A)
    %dma_start3A = arith.constant 48 : i32
    %dma_start3A_3 = arith.constant 0 : i32
    %dma_start3A_4 = tpu.memref_slice %arg3[%add3A, %dma_start3A, %dma_start3A_3] : memref<32x200x128xi32, #tpu.memory_space<hbm>> -> memref<1x48x128xi32, #tpu.memory_space<hbm>>
    %dma_start3A_5 = tpu.memref_squeeze %dma_start3A_4 : memref<1x48x128xi32, #tpu.memory_space<hbm>> -> memref<48x128xi32, #tpu.memory_space<hbm>>
    %dma_start3A_6 = arith.constant 48 : i32
    %dma_start3A_7 = arith.constant 0 : i32
    %dma_start3A_8 = tpu.memref_slice %arg3[%add3A, %dma_start3A_6, %dma_start3A_7] : memref<32x200x128xi32, #tpu.memory_space<hbm>> -> memref<1x48x128xi32, #tpu.memory_space<hbm>>
    %dma_start3A_9 = tpu.memref_squeeze %dma_start3A_8 : memref<1x48x128xi32, #tpu.memory_space<hbm>> -> memref<48x128xi32, #tpu.memory_space<hbm>>
    tpu.enqueue_dma source(%dma_start3A_9 : memref<48x128xi32, #tpu.memory_space<hbm>>) target(%arg7 : memref<48x128xi32, #tpu.memory_space<vmem>>) target_semaphore(%arg17 : memref<!tpu.dma_semaphore, #tpu.memory_space<semaphore_mem>>)
    %dma_start3A_10 = arith.constant 0 : i32
    %dma_start3A_11 = arith.constant 0 : i32
    %dma_start3A_12 = tpu.memref_slice %arg6[%dma_start3A_10, %dma_start3A_11] : memref<48x128xi32, #tpu.memory_space<vmem>> -> memref<1x128xi32, #tpu.memory_space<vmem>>
    %dma_start3A_13 = tpu.memref_squeeze %dma_start3A_12 : memref<1x128xi32, #tpu.memory_space<vmem>> -> memref<128xi32, #tpu.memory_space<vmem>>
    %dma_start3A_14 = arith.constant 0 : i32
    %dma_start3A_15 = arith.constant 0 : i32
    %dma_start3A_16 = tpu.memref_slice %arg5[%dma_start3A_14, %dma_start3A_15] : memref<8192x128xf32, #tpu.memory_space<vmem_shared>> -> memref<8192x128xf32, #tpu.memory_space<vmem_shared>>
    tpu.enqueue_indirect_dma source(%dma_start3A_16 : memref<8192x128xf32, #tpu.memory_space<vmem_shared>>) target(%arg8 : memref<128x128xf32, #tpu.memory_space<vmem>>) offsets(%dma_start3A_13 : memref<128xi32, #tpu.memory_space<vmem>>) semaphore(%arg11 : memref<!tpu.dma_semaphore, #tpu.memory_space<semaphore_mem>>)
    %dma_start3A_17 = arith.constant 1 : i32
    %dma_start3A_18 = arith.constant 0 : i32
    %dma_start3A_19 = tpu.memref_slice %arg6[%dma_start3A_17, %dma_start3A_18] : memref<48x128xi32, #tpu.memory_space<vmem>> -> memref<1x128xi32, #tpu.memory_space<vmem>>
    %dma_start3A_20 = tpu.memref_squeeze %dma_start3A_19 : memref<1x128xi32, #tpu.memory_space<vmem>> -> memref<128xi32, #tpu.memory_space<vmem>>
    %dma_start3A_21 = arith.constant 0 : i32
    %dma_start3A_22 = arith.constant 0 : i32
    %dma_start3A_23 = tpu.memref_slice %arg5[%dma_start3A_21, %dma_start3A_22] : memref<8192x128xf32, #tpu.memory_space<vmem_shared>> -> memref<8192x128xf32, #tpu.memory_space<vmem_shared>>
    tpu.enqueue_indirect_dma source(%dma_start3A_23 : memref<8192x128xf32, #tpu.memory_space<vmem_shared>>) target(%arg9 : memref<128x128xf32, #tpu.memory_space<vmem>>) offsets(%dma_start3A_20 : memref<128xi32, #tpu.memory_space<vmem>>) semaphore(%arg12 : memref<!tpu.dma_semaphore, #tpu.memory_space<semaphore_mem>>)
    %dma_start3A_24 = arith.constant 2 : i32
    %dma_start3A_25 = arith.constant 0 : i32
    %dma_start3A_26 = tpu.memref_slice %arg6[%dma_start3A_24, %dma_start3A_25] : memref<48x128xi32, #tpu.memory_space<vmem>> -> memref<1x128xi32, #tpu.memory_space<vmem>>
    %dma_start3A_27 = tpu.memref_squeeze %dma_start3A_26 : memref<1x128xi32, #tpu.memory_space<vmem>> -> memref<128xi32, #tpu.memory_space<vmem>>
    %dma_start3A_28 = arith.constant 0 : i32
    %dma_start3A_29 = arith.constant 0 : i32
    %dma_start3A_30 = tpu.memref_slice %arg5[%dma_start3A_28, %dma_start3A_29] : memref<8192x128xf32, #tpu.memory_space<vmem_shared>> -> memref<8192x128xf32, #tpu.memory_space<vmem_shared>>
    tpu.enqueue_indirect_dma source(%dma_start3A_30 : memref<8192x128xf32, #tpu.memory_space<vmem_shared>>) target(%arg10 : memref<128x128xf32, #tpu.memory_space<vmem>>) offsets(%dma_start3A_27 : memref<128xi32, #tpu.memory_space<vmem>>) semaphore(%arg13 : memref<!tpu.dma_semaphore, #tpu.memory_space<semaphore_mem>>)
    %dma_wait3A = arith.constant 0 : i32
    %dma_wait3A_31 = arith.constant 0 : i32
    %dma_wait3A_32 = tpu.memref_slice %arg6[%dma_wait3A, %dma_wait3A_31] : memref<48x128xi32, #tpu.memory_space<vmem>> -> memref<1x128xi32, #tpu.memory_space<vmem>>
    %dma_wait3A_33 = tpu.memref_squeeze %dma_wait3A_32 : memref<1x128xi32, #tpu.memory_space<vmem>> -> memref<128xi32, #tpu.memory_space<vmem>>
    %dma_wait3A_34 = arith.constant 0 : i32
    %dma_wait3A_35 = arith.constant 0 : i32
    %dma_wait3A_36 = tpu.memref_slice %arg5[%dma_wait3A_34, %dma_wait3A_35] : memref<8192x128xf32, #tpu.memory_space<vmem_shared>> -> memref<8192x128xf32, #tpu.memory_space<vmem_shared>>
    tpu.wait_indirect_dma semaphore(%arg11 : memref<!tpu.dma_semaphore, #tpu.memory_space<semaphore_mem>>) src(%dma_wait3A_36 : memref<8192x128xf32, #tpu.memory_space<vmem_shared>>) dst(%arg8 : memref<128x128xf32, #tpu.memory_space<vmem>>)
    %dma_start3A_37 = arith.constant 0 : i32
    %dma_start3A_38 = arith.constant 0 : i32
    %dma_start3A_39 = arith.constant 0 : i32
    %dma_start3A_40 = tpu.memref_slice %arg4[%add3A, %dma_start3A_37, %dma_start3A_38, %dma_start3A_39] : memref<32x200x128x128xf32, #tpu.memory_space<hbm>> -> memref<1x1x128x128xf32, #tpu.memory_space<hbm>>
    %dma_start3A_41 = tpu.memref_squeeze %dma_start3A_40 : memref<1x1x128x128xf32, #tpu.memory_space<hbm>> -> memref<128x128xf32, #tpu.memory_space<hbm>>
    %dma_start3A_42 = arith.constant 0 : i32
    %dma_start3A_43 = arith.constant 0 : i32
    %dma_start3A_44 = tpu.memref_slice %arg4[%add3A, %dma_start3A_37, %dma_start3A_42, %dma_start3A_43] : memref<32x200x128x128xf32, #tpu.memory_space<hbm>> -> memref<1x1x128x128xf32, #tpu.memory_space<hbm>>
    %dma_start3A_45 = tpu.memref_squeeze %dma_start3A_44 : memref<1x1x128x128xf32, #tpu.memory_space<hbm>> -> memref<128x128xf32, #tpu.memory_space<hbm>>
    tpu.enqueue_dma source(%arg8 : memref<128x128xf32, #tpu.memory_space<vmem>>) target(%dma_start3A_45 : memref<128x128xf32, #tpu.memory_space<hbm>>) target_semaphore(%arg14 : memref<!tpu.dma_semaphore, #tpu.memory_space<semaphore_mem>>)
    %dma_wait3A_46 = arith.constant 1 : i32
    %dma_wait3A_47 = arith.constant 0 : i32
    %dma_wait3A_48 = tpu.memref_slice %arg6[%dma_wait3A_46, %dma_wait3A_47] : memref<48x128xi32, #tpu.memory_space<vmem>> -> memref<1x128xi32, #tpu.memory_space<vmem>>
    %dma_wait3A_49 = tpu.memref_squeeze %dma_wait3A_48 : memref<1x128xi32, #tpu.memory_space<vmem>> -> memref<128xi32, #tpu.memory_space<vmem>>
    %dma_wait3A_50 = arith.constant 0 : i32
    %dma_wait3A_51 = arith.constant 0 : i32
    %dma_wait3A_52 = tpu.memref_slice %arg5[%dma_wait3A_50, %dma_wait3A_51] : memref<8192x128xf32, #tpu.memory_space<vmem_shared>> -> memref<8192x128xf32, #tpu.memory_space<vmem_shared>>
    tpu.wait_indirect_dma semaphore(%arg12 : memref<!tpu.dma_semaphore, #tpu.memory_space<semaphore_mem>>) src(%dma_wait3A_52 : memref<8192x128xf32, #tpu.memory_space<vmem_shared>>) dst(%arg9 : memref<128x128xf32, #tpu.memory_space<vmem>>)
    %dma_start3A_53 = arith.constant 1 : i32
    %dma_start3A_54 = arith.constant 0 : i32
    %dma_start3A_55 = arith.constant 0 : i32
    %dma_start3A_56 = tpu.memref_slice %arg4[%add3A, %dma_start3A_53, %dma_start3A_54, %dma_start3A_55] : memref<32x200x128x128xf32, #tpu.memory_space<hbm>> -> memref<1x1x128x128xf32, #tpu.memory_space<hbm>>
    %dma_start3A_57 = tpu.memref_squeeze %dma_start3A_56 : memref<1x1x128x128xf32, #tpu.memory_space<hbm>> -> memref<128x128xf32, #tpu.memory_space<hbm>>
    %dma_start3A_58 = arith.constant 0 : i32
    %dma_start3A_59 = arith.constant 0 : i32
    %dma_start3A_60 = tpu.memref_slice %arg4[%add3A, %dma_start3A_53, %dma_start3A_58, %dma_start3A_59] : memref<32x200x128x128xf32, #tpu.memory_space<hbm>> -> memref<1x1x128x128xf32, #tpu.memory_space<hbm>>
    %dma_start3A_61 = tpu.memref_squeeze %dma_start3A_60 : memref<1x1x128x128xf32, #tpu.memory_space<hbm>> -> memref<128x128xf32, #tpu.memory_space<hbm>>
    tpu.enqueue_dma source(%arg9 : memref<128x128xf32, #tpu.memory_space<vmem>>) target(%dma_start3A_61 : memref<128x128xf32, #tpu.memory_space<hbm>>) target_semaphore(%arg15 : memref<!tpu.dma_semaphore, #tpu.memory_space<semaphore_mem>>)
    %dma_wait3A_62 = arith.constant 2 : i32
    %dma_wait3A_63 = arith.constant 0 : i32
    %dma_wait3A_64 = tpu.memref_slice %arg6[%dma_wait3A_62, %dma_wait3A_63] : memref<48x128xi32, #tpu.memory_space<vmem>> -> memref<1x128xi32, #tpu.memory_space<vmem>>
    %dma_wait3A_65 = tpu.memref_squeeze %dma_wait3A_64 : memref<1x128xi32, #tpu.memory_space<vmem>> -> memref<128xi32, #tpu.memory_space<vmem>>
    %dma_wait3A_66 = arith.constant 0 : i32
    %dma_wait3A_67 = arith.constant 0 : i32
    %dma_wait3A_68 = tpu.memref_slice %arg5[%dma_wait3A_66, %dma_wait3A_67] : memref<8192x128xf32, #tpu.memory_space<vmem_shared>> -> memref<8192x128xf32, #tpu.memory_space<vmem_shared>>
    tpu.wait_indirect_dma semaphore(%arg13 : memref<!tpu.dma_semaphore, #tpu.memory_space<semaphore_mem>>) src(%dma_wait3A_68 : memref<8192x128xf32, #tpu.memory_space<vmem_shared>>) dst(%arg10 : memref<128x128xf32, #tpu.memory_space<vmem>>)
    %dma_start3A_69 = arith.constant 2 : i32
    %dma_start3A_70 = arith.constant 0 : i32
    %dma_start3A_71 = arith.constant 0 : i32
    %dma_start3A_72 = tpu.memref_slice %arg4[%add3A, %dma_start3A_69, %dma_start3A_70, %dma_start3A_71] : memref<32x200x128x128xf32, #tpu.memory_space<hbm>> -> memref<1x1x128x128xf32, #tpu.memory_space<hbm>>
    %dma_start3A_73 = tpu.memref_squeeze %dma_start3A_72 : memref<1x1x128x128xf32, #tpu.memory_space<hbm>> -> memref<128x128xf32, #tpu.memory_space<hbm>>
    %dma_start3A_74 = arith.constant 0 : i32
    %dma_start3A_75 = arith.constant 0 : i32
    %dma_start3A_76 = tpu.memref_slice %arg4[%add3A, %dma_start3A_69, %dma_start3A_74, %dma_start3A_75] : memref<32x200x128x128xf32, #tpu.memory_space<hbm>> -> memref<1x1x128x128xf32, #tpu.memory_space<hbm>>
    %dma_start3A_77 = tpu.memref_squeeze %dma_start3A_76 : memref<1x1x128x128xf32, #tpu.memory_space<hbm>> -> memref<128x128xf32, #tpu.memory_space<hbm>>
    tpu.enqueue_dma source(%arg10 : memref<128x128xf32, #tpu.memory_space<vmem>>) target(%dma_start3A_77 : memref<128x128xf32, #tpu.memory_space<hbm>>) target_semaphore(%arg16 : memref<!tpu.dma_semaphore, #tpu.memory_space<semaphore_mem>>)
    %scan3A = arith.constant 0 : i32
    %scan3A_78 = arith.constant 15 : i32
    %scan3A_79 = arith.addi %scan3A, %scan3A_78 : i32
    %scan3A_80 = arith.constant 1 : i32
    scf.for %scan3A_448 = %scan3A to %scan3A_79 step %scan3A_80  : i32 {
      %mul3A_449 = arith.constant 1 : i32
      %mul3A_450 = arith.muli %scan3A_448, %mul3A_449 : i32
      %add3A_451 = arith.constant 1 : i32
      %add3A_452 = arith.addi %add3A_451, %mul3A_450 : i32
      %dma_wait3A_453 = arith.constant 0 : i32
      %dma_wait3A_454 = arith.constant 0 : i32
      %dma_wait3A_455 = arith.constant 0 : i32
      %dma_wait3A_456 = tpu.memref_slice %arg4[%add3A, %dma_wait3A_453, %dma_wait3A_454, %dma_wait3A_455] : memref<32x200x128x128xf32, #tpu.memory_space<hbm>> -> memref<1x1x128x128xf32, #tpu.memory_space<hbm>>
      %dma_wait3A_457 = tpu.memref_squeeze %dma_wait3A_456 : memref<1x1x128x128xf32, #tpu.memory_space<hbm>> -> memref<128x128xf32, #tpu.memory_space<hbm>>
      %dma_wait3A_458 = arith.constant 0 : i32
      %dma_wait3A_459 = arith.constant 0 : i32
      %dma_wait3A_460 = tpu.memref_slice %arg4[%add3A, %dma_wait3A_453, %dma_wait3A_458, %dma_wait3A_459] : memref<32x200x128x128xf32, #tpu.memory_space<hbm>> -> memref<1x1x128x128xf32, #tpu.memory_space<hbm>>
      %dma_wait3A_461 = tpu.memref_squeeze %dma_wait3A_460 : memref<1x1x128x128xf32, #tpu.memory_space<hbm>> -> memref<128x128xf32, #tpu.memory_space<hbm>>
      tpu.wait_dma2 semaphore(%arg14 : memref<!tpu.dma_semaphore, #tpu.memory_space<semaphore_mem>>) src(%arg8 : memref<128x128xf32, #tpu.memory_space<vmem>>) dst(%dma_wait3A_461 : memref<128x128xf32, #tpu.memory_space<hbm>>)
      %mul3A_462 = arith.constant 3 : i32
      %mul3A_463 = arith.muli %add3A_452, %mul3A_462 : i32
      %add3A_464 = arith.constant 0 : i32
      %add3A_465 = arith.addi %mul3A_463, %add3A_464 : i32
      %dma_start3A_466 = arith.constant 0 : i32
      %dma_start3A_467 = tpu.memref_slice %arg6[%add3A_465, %dma_start3A_466] : memref<48x128xi32, #tpu.memory_space<vmem>> -> memref<1x128xi32, #tpu.memory_space<vmem>>
      %dma_start3A_468 = tpu.memref_squeeze %dma_start3A_467 : memref<1x128xi32, #tpu.memory_space<vmem>> -> memref<128xi32, #tpu.memory_space<vmem>>
      %dma_start3A_469 = arith.constant 0 : i32
      %dma_start3A_470 = arith.constant 0 : i32
      %dma_start3A_471 = tpu.memref_slice %arg5[%dma_start3A_469, %dma_start3A_470] : memref<8192x128xf32, #tpu.memory_space<vmem_shared>> -> memref<8192x128xf32, #tpu.memory_space<vmem_shared>>
      tpu.enqueue_indirect_dma source(%dma_start3A_471 : memref<8192x128xf32, #tpu.memory_space<vmem_shared>>) target(%arg8 : memref<128x128xf32, #tpu.memory_space<vmem>>) offsets(%dma_start3A_468 : memref<128xi32, #tpu.memory_space<vmem>>) semaphore(%arg11 : memref<!tpu.dma_semaphore, #tpu.memory_space<semaphore_mem>>)
      %dma_wait3A_472 = arith.constant 0 : i32
      %dma_wait3A_473 = arith.constant 0 : i32
      %dma_wait3A_474 = arith.constant 0 : i32
      %dma_wait3A_475 = tpu.memref_slice %arg4[%add3A, %dma_wait3A_472, %dma_wait3A_473, %dma_wait3A_474] : memref<32x200x128x128xf32, #tpu.memory_space<hbm>> -> memref<1x1x128x128xf32, #tpu.memory_space<hbm>>
      %dma_wait3A_476 = tpu.memref_squeeze %dma_wait3A_475 : memref<1x1x128x128xf32, #tpu.memory_space<hbm>> -> memref<128x128xf32, #tpu.memory_space<hbm>>
      %dma_wait3A_477 = arith.constant 0 : i32
      %dma_wait3A_478 = arith.constant 0 : i32
      %dma_wait3A_479 = tpu.memref_slice %arg4[%add3A, %dma_wait3A_472, %dma_wait3A_477, %dma_wait3A_478] : memref<32x200x128x128xf32, #tpu.memory_space<hbm>> -> memref<1x1x128x128xf32, #tpu.memory_space<hbm>>
      %dma_wait3A_480 = tpu.memref_squeeze %dma_wait3A_479 : memref<1x1x128x128xf32, #tpu.memory_space<hbm>> -> memref<128x128xf32, #tpu.memory_space<hbm>>
      tpu.wait_dma2 semaphore(%arg15 : memref<!tpu.dma_semaphore, #tpu.memory_space<semaphore_mem>>) src(%arg9 : memref<128x128xf32, #tpu.memory_space<vmem>>) dst(%dma_wait3A_480 : memref<128x128xf32, #tpu.memory_space<hbm>>)
      %mul3A_481 = arith.constant 3 : i32
      %mul3A_482 = arith.muli %add3A_452, %mul3A_481 : i32
      %add3A_483 = arith.constant 1 : i32
      %add3A_484 = arith.addi %mul3A_482, %add3A_483 : i32
      %dma_start3A_485 = arith.constant 0 : i32
      %dma_start3A_486 = tpu.memref_slice %arg6[%add3A_484, %dma_start3A_485] : memref<48x128xi32, #tpu.memory_space<vmem>> -> memref<1x128xi32, #tpu.memory_space<vmem>>
      %dma_start3A_487 = tpu.memref_squeeze %dma_start3A_486 : memref<1x128xi32, #tpu.memory_space<vmem>> -> memref<128xi32, #tpu.memory_space<vmem>>
      %dma_start3A_488 = arith.constant 0 : i32
      %dma_start3A_489 = arith.constant 0 : i32
      %dma_start3A_490 = tpu.memref_slice %arg5[%dma_start3A_488, %dma_start3A_489] : memref<8192x128xf32, #tpu.memory_space<vmem_shared>> -> memref<8192x128xf32, #tpu.memory_space<vmem_shared>>
      tpu.enqueue_indirect_dma source(%dma_start3A_490 : memref<8192x128xf32, #tpu.memory_space<vmem_shared>>) target(%arg9 : memref<128x128xf32, #tpu.memory_space<vmem>>) offsets(%dma_start3A_487 : memref<128xi32, #tpu.memory_space<vmem>>) semaphore(%arg12 : memref<!tpu.dma_semaphore, #tpu.memory_space<semaphore_mem>>)
      %dma_wait3A_491 = arith.constant 0 : i32
      %dma_wait3A_492 = arith.constant 0 : i32
      %dma_wait3A_493 = arith.constant 0 : i32
      %dma_wait3A_494 = tpu.memref_slice %arg4[%add3A, %dma_wait3A_491, %dma_wait3A_492, %dma_wait3A_493] : memref<32x200x128x128xf32, #tpu.memory_space<hbm>> -> memref<1x1x128x128xf32, #tpu.memory_space<hbm>>
      %dma_wait3A_495 = tpu.memref_squeeze %dma_wait3A_494 : memref<1x1x128x128xf32, #tpu.memory_space<hbm>> -> memref<128x128xf32, #tpu.memory_space<hbm>>
      %dma_wait3A_496 = arith.constant 0 : i32
      %dma_wait3A_497 = arith.constant 0 : i32
      %dma_wait3A_498 = tpu.memref_slice %arg4[%add3A, %dma_wait3A_491, %dma_wait3A_496, %dma_wait3A_497] : memref<32x200x128x128xf32, #tpu.memory_space<hbm>> -> memref<1x1x128x128xf32, #tpu.memory_space<hbm>>
      %dma_wait3A_499 = tpu.memref_squeeze %dma_wait3A_498 : memref<1x1x128x128xf32, #tpu.memory_space<hbm>> -> memref<128x128xf32, #tpu.memory_space<hbm>>
      tpu.wait_dma2 semaphore(%arg16 : memref<!tpu.dma_semaphore, #tpu.memory_space<semaphore_mem>>) src(%arg10 : memref<128x128xf32, #tpu.memory_space<vmem>>) dst(%dma_wait3A_499 : memref<128x128xf32, #tpu.memory_space<hbm>>)
      %mul3A_500 = arith.constant 3 : i32
      %mul3A_501 = arith.muli %add3A_452, %mul3A_500 : i32
      %add3A_502 = arith.constant 2 : i32
      %add3A_503 = arith.addi %mul3A_501, %add3A_502 : i32
      %dma_start3A_504 = arith.constant 0 : i32
      %dma_start3A_505 = tpu.memref_slice %arg6[%add3A_503, %dma_start3A_504] : memref<48x128xi32, #tpu.memory_space<vmem>> -> memref<1x128xi32, #tpu.memory_space<vmem>>
      %dma_start3A_506 = tpu.memref_squeeze %dma_start3A_505 : memref<1x128xi32, #tpu.memory_space<vmem>> -> memref<128xi32, #tpu.memory_space<vmem>>
      %dma_start3A_507 = arith.constant 0 : i32
      %dma_start3A_508 = arith.constant 0 : i32
      %dma_start3A_509 = tpu.memref_slice %arg5[%dma_start3A_507, %dma_start3A_508] : memref<8192x128xf32, #tpu.memory_space<vmem_shared>> -> memref<8192x128xf32, #tpu.memory_space<vmem_shared>>
      tpu.enqueue_indirect_dma source(%dma_start3A_509 : memref<8192x128xf32, #tpu.memory_space<vmem_shared>>) target(%arg10 : memref<128x128xf32, #tpu.memory_space<vmem>>) offsets(%dma_start3A_506 : memref<128xi32, #tpu.memory_space<vmem>>) semaphore(%arg13 : memref<!tpu.dma_semaphore, #tpu.memory_space<semaphore_mem>>)
      %dma_wait3A_510 = arith.constant 0 : i32
      %dma_wait3A_511 = tpu.memref_slice %arg6[%add3A_465, %dma_wait3A_510] : memref<48x128xi32, #tpu.memory_space<vmem>> -> memref<1x128xi32, #tpu.memory_space<vmem>>
      %dma_wait3A_512 = tpu.memref_squeeze %dma_wait3A_511 : memref<1x128xi32, #tpu.memory_space<vmem>> -> memref<128xi32, #tpu.memory_space<vmem>>
      %dma_wait3A_513 = arith.constant 0 : i32
      %dma_wait3A_514 = arith.constant 0 : i32
      %dma_wait3A_515 = tpu.memref_slice %arg5[%dma_wait3A_513, %dma_wait3A_514] : memref<8192x128xf32, #tpu.memory_space<vmem_shared>> -> memref<8192x128xf32, #tpu.memory_space<vmem_shared>>
      tpu.wait_indirect_dma semaphore(%arg11 : memref<!tpu.dma_semaphore, #tpu.memory_space<semaphore_mem>>) src(%dma_wait3A_515 : memref<8192x128xf32, #tpu.memory_space<vmem_shared>>) dst(%arg8 : memref<128x128xf32, #tpu.memory_space<vmem>>)
      %mul3A_516 = arith.constant 3 : i32
      %mul3A_517 = arith.muli %add3A_452, %mul3A_516 : i32
      %add3A_518 = arith.constant 0 : i32
      %add3A_519 = arith.addi %add3A_518, %mul3A_517 : i32
      %add3A_520 = arith.constant 0 : i32
      %add3A_521 = arith.addi %add3A_519, %add3A_520 : i32
      %dma_start3A_522 = arith.constant 0 : i32
      %dma_start3A_523 = arith.constant 0 : i32
      %dma_start3A_524 = tpu.memref_slice %arg4[%add3A, %add3A_521, %dma_start3A_522, %dma_start3A_523] : memref<32x200x128x128xf32, #tpu.memory_space<hbm>> -> memref<1x1x128x128xf32, #tpu.memory_space<hbm>>
      %dma_start3A_525 = tpu.memref_squeeze %dma_start3A_524 : memref<1x1x128x128xf32, #tpu.memory_space<hbm>> -> memref<128x128xf32, #tpu.memory_space<hbm>>
      %dma_start3A_526 = arith.constant 0 : i32
      %dma_start3A_527 = arith.constant 0 : i32
      %dma_start3A_528 = tpu.memref_slice %arg4[%add3A, %add3A_521, %dma_start3A_526, %dma_start3A_527] : memref<32x200x128x128xf32, #tpu.memory_space<hbm>> -> memref<1x1x128x128xf32, #tpu.memory_space<hbm>>
      %dma_start3A_529 = tpu.memref_squeeze %dma_start3A_528 : memref<1x1x128x128xf32, #tpu.memory_space<hbm>> -> memref<128x128xf32, #tpu.memory_space<hbm>>
      tpu.enqueue_dma source(%arg8 : memref<128x128xf32, #tpu.memory_space<vmem>>) target(%dma_start3A_529 : memref<128x128xf32, #tpu.memory_space<hbm>>) target_semaphore(%arg14 : memref<!tpu.dma_semaphore, #tpu.memory_space<semaphore_mem>>)
      %dma_wait3A_530 = arith.constant 0 : i32
      %dma_wait3A_531 = tpu.memref_slice %arg6[%add3A_484, %dma_wait3A_530] : memref<48x128xi32, #tpu.memory_space<vmem>> -> memref<1x128xi32, #tpu.memory_space<vmem>>
      %dma_wait3A_532 = tpu.memref_squeeze %dma_wait3A_531 : memref<1x128xi32, #tpu.memory_space<vmem>> -> memref<128xi32, #tpu.memory_space<vmem>>
      %dma_wait3A_533 = arith.constant 0 : i32
      %dma_wait3A_534 = arith.constant 0 : i32
      %dma_wait3A_535 = tpu.memref_slice %arg5[%dma_wait3A_533, %dma_wait3A_534] : memref<8192x128xf32, #tpu.memory_space<vmem_shared>> -> memref<8192x128xf32, #tpu.memory_space<vmem_shared>>
      tpu.wait_indirect_dma semaphore(%arg12 : memref<!tpu.dma_semaphore, #tpu.memory_space<semaphore_mem>>) src(%dma_wait3A_535 : memref<8192x128xf32, #tpu.memory_space<vmem_shared>>) dst(%arg9 : memref<128x128xf32, #tpu.memory_space<vmem>>)
      %mul3A_536 = arith.constant 3 : i32
      %mul3A_537 = arith.muli %add3A_452, %mul3A_536 : i32
      %add3A_538 = arith.constant 0 : i32
      %add3A_539 = arith.addi %add3A_538, %mul3A_537 : i32
      %add3A_540 = arith.constant 1 : i32
      %add3A_541 = arith.addi %add3A_539, %add3A_540 : i32
      %dma_start3A_542 = arith.constant 0 : i32
      %dma_start3A_543 = arith.constant 0 : i32
      %dma_start3A_544 = tpu.memref_slice %arg4[%add3A, %add3A_541, %dma_start3A_542, %dma_start3A_543] : memref<32x200x128x128xf32, #tpu.memory_space<hbm>> -> memref<1x1x128x128xf32, #tpu.memory_space<hbm>>
      %dma_start3A_545 = tpu.memref_squeeze %dma_start3A_544 : memref<1x1x128x128xf32, #tpu.memory_space<hbm>> -> memref<128x128xf32, #tpu.memory_space<hbm>>
      %dma_start3A_546 = arith.constant 0 : i32
      %dma_start3A_547 = arith.constant 0 : i32
      %dma_start3A_548 = tpu.memref_slice %arg4[%add3A, %add3A_541, %dma_start3A_546, %dma_start3A_547] : memref<32x200x128x128xf32, #tpu.memory_space<hbm>> -> memref<1x1x128x128xf32, #tpu.memory_space<hbm>>
      %dma_start3A_549 = tpu.memref_squeeze %dma_start3A_548 : memref<1x1x128x128xf32, #tpu.memory_space<hbm>> -> memref<128x128xf32, #tpu.memory_space<hbm>>
      tpu.enqueue_dma source(%arg9 : memref<128x128xf32, #tpu.memory_space<vmem>>) target(%dma_start3A_549 : memref<128x128xf32, #tpu.memory_space<hbm>>) target_semaphore(%arg15 : memref<!tpu.dma_semaphore, #tpu.memory_space<semaphore_mem>>)
      %dma_wait3A_550 = arith.constant 0 : i32
      %dma_wait3A_551 = tpu.memref_slice %arg6[%add3A_503, %dma_wait3A_550] : memref<48x128xi32, #tpu.memory_space<vmem>> -> memref<1x128xi32, #tpu.memory_space<vmem>>
      %dma_wait3A_552 = tpu.memref_squeeze %dma_wait3A_551 : memref<1x128xi32, #tpu.memory_space<vmem>> -> memref<128xi32, #tpu.memory_space<vmem>>
      %dma_wait3A_553 = arith.constant 0 : i32
      %dma_wait3A_554 = arith.constant 0 : i32
      %dma_wait3A_555 = tpu.memref_slice %arg5[%dma_wait3A_553, %dma_wait3A_554] : memref<8192x128xf32, #tpu.memory_space<vmem_shared>> -> memref<8192x128xf32, #tpu.memory_space<vmem_shared>>
      tpu.wait_indirect_dma semaphore(%arg13 : memref<!tpu.dma_semaphore, #tpu.memory_space<semaphore_mem>>) src(%dma_wait3A_555 : memref<8192x128xf32, #tpu.memory_space<vmem_shared>>) dst(%arg10 : memref<128x128xf32, #tpu.memory_space<vmem>>)
      %mul3A_556 = arith.constant 3 : i32
      %mul3A_557 = arith.muli %add3A_452, %mul3A_556 : i32
      %add3A_558 = arith.constant 0 : i32
      %add3A_559 = arith.addi %add3A_558, %mul3A_557 : i32
      %add3A_560 = arith.constant 2 : i32
      %add3A_561 = arith.addi %add3A_559, %add3A_560 : i32
      %dma_start3A_562 = arith.constant 0 : i32
      %dma_start3A_563 = arith.constant 0 : i32
      %dma_start3A_564 = tpu.memref_slice %arg4[%add3A, %add3A_561, %dma_start3A_562, %dma_start3A_563] : memref<32x200x128x128xf32, #tpu.memory_space<hbm>> -> memref<1x1x128x128xf32, #tpu.memory_space<hbm>>
      %dma_start3A_565 = tpu.memref_squeeze %dma_start3A_564 : memref<1x1x128x128xf32, #tpu.memory_space<hbm>> -> memref<128x128xf32, #tpu.memory_space<hbm>>
      %dma_start3A_566 = arith.constant 0 : i32
      %dma_start3A_567 = arith.constant 0 : i32
      %dma_start3A_568 = tpu.memref_slice %arg4[%add3A, %add3A_561, %dma_start3A_566, %dma_start3A_567] : memref<32x200x128x128xf32, #tpu.memory_space<hbm>> -> memref<1x1x128x128xf32, #tpu.memory_space<hbm>>
      %dma_start3A_569 = tpu.memref_squeeze %dma_start3A_568 : memref<1x1x128x128xf32, #tpu.memory_space<hbm>> -> memref<128x128xf32, #tpu.memory_space<hbm>>
      tpu.enqueue_dma source(%arg10 : memref<128x128xf32, #tpu.memory_space<vmem>>) target(%dma_start3A_569 : memref<128x128xf32, #tpu.memory_space<hbm>>) target_semaphore(%arg16 : memref<!tpu.dma_semaphore, #tpu.memory_space<semaphore_mem>>)
    }
    %scan3A_81 = arith.constant 15 : i32
    %dma_start3A_82 = arith.constant 96 : i32
    %dma_start3A_83 = arith.constant 0 : i32
    %dma_start3A_84 = tpu.memref_slice %arg3[%add3A, %dma_start3A_82, %dma_start3A_83] : memref<32x200x128xi32, #tpu.memory_space<hbm>> -> memref<1x48x128xi32, #tpu.memory_space<hbm>>
    %dma_start3A_85 = tpu.memref_squeeze %dma_start3A_84 : memref<1x48x128xi32, #tpu.memory_space<hbm>> -> memref<48x128xi32, #tpu.memory_space<hbm>>
    %dma_start3A_86 = arith.constant 96 : i32
    %dma_start3A_87 = arith.constant 0 : i32
    %dma_start3A_88 = tpu.memref_slice %arg3[%add3A, %dma_start3A_86, %dma_start3A_87] : memref<32x200x128xi32, #tpu.memory_space<hbm>> -> memref<1x48x128xi32, #tpu.memory_space<hbm>>
    %dma_start3A_89 = tpu.memref_squeeze %dma_start3A_88 : memref<1x48x128xi32, #tpu.memory_space<hbm>> -> memref<48x128xi32, #tpu.memory_space<hbm>>
    tpu.enqueue_dma source(%dma_start3A_89 : memref<48x128xi32, #tpu.memory_space<hbm>>) target(%arg6 : memref<48x128xi32, #tpu.memory_space<vmem>>) target_semaphore(%arg17 : memref<!tpu.dma_semaphore, #tpu.memory_space<semaphore_mem>>)
    %dma_wait3A_90 = arith.constant 0 : i32
    %dma_wait3A_91 = arith.constant 0 : i32
    %dma_wait3A_92 = tpu.memref_slice %arg3[%add3A, %dma_wait3A_90, %dma_wait3A_91] : memref<32x200x128xi32, #tpu.memory_space<hbm>> -> memref<1x48x128xi32, #tpu.memory_space<hbm>>
    %dma_wait3A_93 = tpu.memref_squeeze %dma_wait3A_92 : memref<1x48x128xi32, #tpu.memory_space<hbm>> -> memref<48x128xi32, #tpu.memory_space<hbm>>
    %dma_wait3A_94 = arith.constant 0 : i32
    %dma_wait3A_95 = arith.constant 0 : i32
    %dma_wait3A_96 = tpu.memref_slice %arg3[%add3A, %dma_wait3A_94, %dma_wait3A_95] : memref<32x200x128xi32, #tpu.memory_space<hbm>> -> memref<1x48x128xi32, #tpu.memory_space<hbm>>
    %dma_wait3A_97 = tpu.memref_squeeze %dma_wait3A_96 : memref<1x48x128xi32, #tpu.memory_space<hbm>> -> memref<48x128xi32, #tpu.memory_space<hbm>>
    tpu.wait_dma2 semaphore(%arg17 : memref<!tpu.dma_semaphore, #tpu.memory_space<semaphore_mem>>) src(%dma_wait3A_97 : memref<48x128xi32, #tpu.memory_space<hbm>>) dst(%arg7 : memref<48x128xi32, #tpu.memory_space<vmem>>)
    %scan3A_98 = arith.constant 0 : i32
    %scan3A_99 = arith.constant 16 : i32
    %scan3A_100 = arith.addi %scan3A_98, %scan3A_99 : i32
    %scan3A_101 = arith.constant 1 : i32
    scf.for %scan3A_448 = %scan3A_98 to %scan3A_100 step %scan3A_101  : i32 {
      %mul3A_449 = arith.constant 1 : i32
      %mul3A_450 = arith.muli %scan3A_448, %mul3A_449 : i32
      %add3A_451 = arith.constant 0 : i32
      %add3A_452 = arith.addi %add3A_451, %mul3A_450 : i32
      %dma_wait3A_453 = arith.constant 0 : i32
      %dma_wait3A_454 = arith.constant 0 : i32
      %dma_wait3A_455 = arith.constant 0 : i32
      %dma_wait3A_456 = tpu.memref_slice %arg4[%add3A, %dma_wait3A_453, %dma_wait3A_454, %dma_wait3A_455] : memref<32x200x128x128xf32, #tpu.memory_space<hbm>> -> memref<1x1x128x128xf32, #tpu.memory_space<hbm>>
      %dma_wait3A_457 = tpu.memref_squeeze %dma_wait3A_456 : memref<1x1x128x128xf32, #tpu.memory_space<hbm>> -> memref<128x128xf32, #tpu.memory_space<hbm>>
      %dma_wait3A_458 = arith.constant 0 : i32
      %dma_wait3A_459 = arith.constant 0 : i32
      %dma_wait3A_460 = tpu.memref_slice %arg4[%add3A, %dma_wait3A_453, %dma_wait3A_458, %dma_wait3A_459] : memref<32x200x128x128xf32, #tpu.memory_space<hbm>> -> memref<1x1x128x128xf32, #tpu.memory_space<hbm>>
      %dma_wait3A_461 = tpu.memref_squeeze %dma_wait3A_460 : memref<1x1x128x128xf32, #tpu.memory_space<hbm>> -> memref<128x128xf32, #tpu.memory_space<hbm>>
      tpu.wait_dma2 semaphore(%arg14 : memref<!tpu.dma_semaphore, #tpu.memory_space<semaphore_mem>>) src(%arg8 : memref<128x128xf32, #tpu.memory_space<vmem>>) dst(%dma_wait3A_461 : memref<128x128xf32, #tpu.memory_space<hbm>>)
      %mul3A_462 = arith.constant 3 : i32
      %mul3A_463 = arith.muli %add3A_452, %mul3A_462 : i32
      %add3A_464 = arith.constant 0 : i32
      %add3A_465 = arith.addi %mul3A_463, %add3A_464 : i32
      %dma_start3A_466 = arith.constant 0 : i32
      %dma_start3A_467 = tpu.memref_slice %arg7[%add3A_465, %dma_start3A_466] : memref<48x128xi32, #tpu.memory_space<vmem>> -> memref<1x128xi32, #tpu.memory_space<vmem>>
      %dma_start3A_468 = tpu.memref_squeeze %dma_start3A_467 : memref<1x128xi32, #tpu.memory_space<vmem>> -> memref<128xi32, #tpu.memory_space<vmem>>
      %dma_start3A_469 = arith.constant 0 : i32
      %dma_start3A_470 = arith.constant 0 : i32
      %dma_start3A_471 = tpu.memref_slice %arg5[%dma_start3A_469, %dma_start3A_470] : memref<8192x128xf32, #tpu.memory_space<vmem_shared>> -> memref<8192x128xf32, #tpu.memory_space<vmem_shared>>
      tpu.enqueue_indirect_dma source(%dma_start3A_471 : memref<8192x128xf32, #tpu.memory_space<vmem_shared>>) target(%arg8 : memref<128x128xf32, #tpu.memory_space<vmem>>) offsets(%dma_start3A_468 : memref<128xi32, #tpu.memory_space<vmem>>) semaphore(%arg11 : memref<!tpu.dma_semaphore, #tpu.memory_space<semaphore_mem>>)
      %dma_wait3A_472 = arith.constant 0 : i32
      %dma_wait3A_473 = arith.constant 0 : i32
      %dma_wait3A_474 = arith.constant 0 : i32
      %dma_wait3A_475 = tpu.memref_slice %arg4[%add3A, %dma_wait3A_472, %dma_wait3A_473, %dma_wait3A_474] : memref<32x200x128x128xf32, #tpu.memory_space<hbm>> -> memref<1x1x128x128xf32, #tpu.memory_space<hbm>>
      %dma_wait3A_476 = tpu.memref_squeeze %dma_wait3A_475 : memref<1x1x128x128xf32, #tpu.memory_space<hbm>> -> memref<128x128xf32, #tpu.memory_space<hbm>>
      %dma_wait3A_477 = arith.constant 0 : i32
      %dma_wait3A_478 = arith.constant 0 : i32
      %dma_wait3A_479 = tpu.memref_slice %arg4[%add3A, %dma_wait3A_472, %dma_wait3A_477, %dma_wait3A_478] : memref<32x200x128x128xf32, #tpu.memory_space<hbm>> -> memref<1x1x128x128xf32, #tpu.memory_space<hbm>>
      %dma_wait3A_480 = tpu.memref_squeeze %dma_wait3A_479 : memref<1x1x128x128xf32, #tpu.memory_space<hbm>> -> memref<128x128xf32, #tpu.memory_space<hbm>>
      tpu.wait_dma2 semaphore(%arg15 : memref<!tpu.dma_semaphore, #tpu.memory_space<semaphore_mem>>) src(%arg9 : memref<128x128xf32, #tpu.memory_space<vmem>>) dst(%dma_wait3A_480 : memref<128x128xf32, #tpu.memory_space<hbm>>)
      %mul3A_481 = arith.constant 3 : i32
      %mul3A_482 = arith.muli %add3A_452, %mul3A_481 : i32
      %add3A_483 = arith.constant 1 : i32
      %add3A_484 = arith.addi %mul3A_482, %add3A_483 : i32
      %dma_start3A_485 = arith.constant 0 : i32
      %dma_start3A_486 = tpu.memref_slice %arg7[%add3A_484, %dma_start3A_485] : memref<48x128xi32, #tpu.memory_space<vmem>> -> memref<1x128xi32, #tpu.memory_space<vmem>>
      %dma_start3A_487 = tpu.memref_squeeze %dma_start3A_486 : memref<1x128xi32, #tpu.memory_space<vmem>> -> memref<128xi32, #tpu.memory_space<vmem>>
      %dma_start3A_488 = arith.constant 0 : i32
      %dma_start3A_489 = arith.constant 0 : i32
      %dma_start3A_490 = tpu.memref_slice %arg5[%dma_start3A_488, %dma_start3A_489] : memref<8192x128xf32, #tpu.memory_space<vmem_shared>> -> memref<8192x128xf32, #tpu.memory_space<vmem_shared>>
      tpu.enqueue_indirect_dma source(%dma_start3A_490 : memref<8192x128xf32, #tpu.memory_space<vmem_shared>>) target(%arg9 : memref<128x128xf32, #tpu.memory_space<vmem>>) offsets(%dma_start3A_487 : memref<128xi32, #tpu.memory_space<vmem>>) semaphore(%arg12 : memref<!tpu.dma_semaphore, #tpu.memory_space<semaphore_mem>>)
      %dma_wait3A_491 = arith.constant 0 : i32
      %dma_wait3A_492 = arith.constant 0 : i32
      %dma_wait3A_493 = arith.constant 0 : i32
      %dma_wait3A_494 = tpu.memref_slice %arg4[%add3A, %dma_wait3A_491, %dma_wait3A_492, %dma_wait3A_493] : memref<32x200x128x128xf32, #tpu.memory_space<hbm>> -> memref<1x1x128x128xf32, #tpu.memory_space<hbm>>
      %dma_wait3A_495 = tpu.memref_squeeze %dma_wait3A_494 : memref<1x1x128x128xf32, #tpu.memory_space<hbm>> -> memref<128x128xf32, #tpu.memory_space<hbm>>
      %dma_wait3A_496 = arith.constant 0 : i32
      %dma_wait3A_497 = arith.constant 0 : i32
      %dma_wait3A_498 = tpu.memref_slice %arg4[%add3A, %dma_wait3A_491, %dma_wait3A_496, %dma_wait3A_497] : memref<32x200x128x128xf32, #tpu.memory_space<hbm>> -> memref<1x1x128x128xf32, #tpu.memory_space<hbm>>
      %dma_wait3A_499 = tpu.memref_squeeze %dma_wait3A_498 : memref<1x1x128x128xf32, #tpu.memory_space<hbm>> -> memref<128x128xf32, #tpu.memory_space<hbm>>
      tpu.wait_dma2 semaphore(%arg16 : memref<!tpu.dma_semaphore, #tpu.memory_space<semaphore_mem>>) src(%arg10 : memref<128x128xf32, #tpu.memory_space<vmem>>) dst(%dma_wait3A_499 : memref<128x128xf32, #tpu.memory_space<hbm>>)
      %mul3A_500 = arith.constant 3 : i32
      %mul3A_501 = arith.muli %add3A_452, %mul3A_500 : i32
      %add3A_502 = arith.constant 2 : i32
      %add3A_503 = arith.addi %mul3A_501, %add3A_502 : i32
      %dma_start3A_504 = arith.constant 0 : i32
      %dma_start3A_505 = tpu.memref_slice %arg7[%add3A_503, %dma_start3A_504] : memref<48x128xi32, #tpu.memory_space<vmem>> -> memref<1x128xi32, #tpu.memory_space<vmem>>
      %dma_start3A_506 = tpu.memref_squeeze %dma_start3A_505 : memref<1x128xi32, #tpu.memory_space<vmem>> -> memref<128xi32, #tpu.memory_space<vmem>>
      %dma_start3A_507 = arith.constant 0 : i32
      %dma_start3A_508 = arith.constant 0 : i32
      %dma_start3A_509 = tpu.memref_slice %arg5[%dma_start3A_507, %dma_start3A_508] : memref<8192x128xf32, #tpu.memory_space<vmem_shared>> -> memref<8192x128xf32, #tpu.memory_space<vmem_shared>>
      tpu.enqueue_indirect_dma source(%dma_start3A_509 : memref<8192x128xf32, #tpu.memory_space<vmem_shared>>) target(%arg10 : memref<128x128xf32, #tpu.memory_space<vmem>>) offsets(%dma_start3A_506 : memref<128xi32, #tpu.memory_space<vmem>>) semaphore(%arg13 : memref<!tpu.dma_semaphore, #tpu.memory_space<semaphore_mem>>)
      %dma_wait3A_510 = arith.constant 0 : i32
      %dma_wait3A_511 = tpu.memref_slice %arg7[%add3A_465, %dma_wait3A_510] : memref<48x128xi32, #tpu.memory_space<vmem>> -> memref<1x128xi32, #tpu.memory_space<vmem>>
      %dma_wait3A_512 = tpu.memref_squeeze %dma_wait3A_511 : memref<1x128xi32, #tpu.memory_space<vmem>> -> memref<128xi32, #tpu.memory_space<vmem>>
      %dma_wait3A_513 = arith.constant 0 : i32
      %dma_wait3A_514 = arith.constant 0 : i32
      %dma_wait3A_515 = tpu.memref_slice %arg5[%dma_wait3A_513, %dma_wait3A_514] : memref<8192x128xf32, #tpu.memory_space<vmem_shared>> -> memref<8192x128xf32, #tpu.memory_space<vmem_shared>>
      tpu.wait_indirect_dma semaphore(%arg11 : memref<!tpu.dma_semaphore, #tpu.memory_space<semaphore_mem>>) src(%dma_wait3A_515 : memref<8192x128xf32, #tpu.memory_space<vmem_shared>>) dst(%arg8 : memref<128x128xf32, #tpu.memory_space<vmem>>)
      %mul3A_516 = arith.constant 3 : i32
      %mul3A_517 = arith.muli %add3A_452, %mul3A_516 : i32
      %add3A_518 = arith.constant 48 : i32
      %add3A_519 = arith.addi %add3A_518, %mul3A_517 : i32
      %add3A_520 = arith.constant 0 : i32
      %add3A_521 = arith.addi %add3A_519, %add3A_520 : i32
      %dma_start3A_522 = arith.constant 0 : i32
      %dma_start3A_523 = arith.constant 0 : i32
      %dma_start3A_524 = tpu.memref_slice %arg4[%add3A, %add3A_521, %dma_start3A_522, %dma_start3A_523] : memref<32x200x128x128xf32, #tpu.memory_space<hbm>> -> memref<1x1x128x128xf32, #tpu.memory_space<hbm>>
      %dma_start3A_525 = tpu.memref_squeeze %dma_start3A_524 : memref<1x1x128x128xf32, #tpu.memory_space<hbm>> -> memref<128x128xf32, #tpu.memory_space<hbm>>
      %dma_start3A_526 = arith.constant 0 : i32
      %dma_start3A_527 = arith.constant 0 : i32
      %dma_start3A_528 = tpu.memref_slice %arg4[%add3A, %add3A_521, %dma_start3A_526, %dma_start3A_527] : memref<32x200x128x128xf32, #tpu.memory_space<hbm>> -> memref<1x1x128x128xf32, #tpu.memory_space<hbm>>
      %dma_start3A_529 = tpu.memref_squeeze %dma_start3A_528 : memref<1x1x128x128xf32, #tpu.memory_space<hbm>> -> memref<128x128xf32, #tpu.memory_space<hbm>>
      tpu.enqueue_dma source(%arg8 : memref<128x128xf32, #tpu.memory_space<vmem>>) target(%dma_start3A_529 : memref<128x128xf32, #tpu.memory_space<hbm>>) target_semaphore(%arg14 : memref<!tpu.dma_semaphore, #tpu.memory_space<semaphore_mem>>)
      %dma_wait3A_530 = arith.constant 0 : i32
      %dma_wait3A_531 = tpu.memref_slice %arg7[%add3A_484, %dma_wait3A_530] : memref<48x128xi32, #tpu.memory_space<vmem>> -> memref<1x128xi32, #tpu.memory_space<vmem>>
      %dma_wait3A_532 = tpu.memref_squeeze %dma_wait3A_531 : memref<1x128xi32, #tpu.memory_space<vmem>> -> memref<128xi32, #tpu.memory_space<vmem>>
      %dma_wait3A_533 = arith.constant 0 : i32
      %dma_wait3A_534 = arith.constant 0 : i32
      %dma_wait3A_535 = tpu.memref_slice %arg5[%dma_wait3A_533, %dma_wait3A_534] : memref<8192x128xf32, #tpu.memory_space<vmem_shared>> -> memref<8192x128xf32, #tpu.memory_space<vmem_shared>>
      tpu.wait_indirect_dma semaphore(%arg12 : memref<!tpu.dma_semaphore, #tpu.memory_space<semaphore_mem>>) src(%dma_wait3A_535 : memref<8192x128xf32, #tpu.memory_space<vmem_shared>>) dst(%arg9 : memref<128x128xf32, #tpu.memory_space<vmem>>)
      %mul3A_536 = arith.constant 3 : i32
      %mul3A_537 = arith.muli %add3A_452, %mul3A_536 : i32
      %add3A_538 = arith.constant 48 : i32
      %add3A_539 = arith.addi %add3A_538, %mul3A_537 : i32
      %add3A_540 = arith.constant 1 : i32
      %add3A_541 = arith.addi %add3A_539, %add3A_540 : i32
      %dma_start3A_542 = arith.constant 0 : i32
      %dma_start3A_543 = arith.constant 0 : i32
      %dma_start3A_544 = tpu.memref_slice %arg4[%add3A, %add3A_541, %dma_start3A_542, %dma_start3A_543] : memref<32x200x128x128xf32, #tpu.memory_space<hbm>> -> memref<1x1x128x128xf32, #tpu.memory_space<hbm>>
      %dma_start3A_545 = tpu.memref_squeeze %dma_start3A_544 : memref<1x1x128x128xf32, #tpu.memory_space<hbm>> -> memref<128x128xf32, #tpu.memory_space<hbm>>
      %dma_start3A_546 = arith.constant 0 : i32
      %dma_start3A_547 = arith.constant 0 : i32
      %dma_start3A_548 = tpu.memref_slice %arg4[%add3A, %add3A_541, %dma_start3A_546, %dma_start3A_547] : memref<32x200x128x128xf32, #tpu.memory_space<hbm>> -> memref<1x1x128x128xf32, #tpu.memory_space<hbm>>
      %dma_start3A_549 = tpu.memref_squeeze %dma_start3A_548 : memref<1x1x128x128xf32, #tpu.memory_space<hbm>> -> memref<128x128xf32, #tpu.memory_space<hbm>>
      tpu.enqueue_dma source(%arg9 : memref<128x128xf32, #tpu.memory_space<vmem>>) target(%dma_start3A_549 : memref<128x128xf32, #tpu.memory_space<hbm>>) target_semaphore(%arg15 : memref<!tpu.dma_semaphore, #tpu.memory_space<semaphore_mem>>)
      %dma_wait3A_550 = arith.constant 0 : i32
      %dma_wait3A_551 = tpu.memref_slice %arg7[%add3A_503, %dma_wait3A_550] : memref<48x128xi32, #tpu.memory_space<vmem>> -> memref<1x128xi32, #tpu.memory_space<vmem>>
      %dma_wait3A_552 = tpu.memref_squeeze %dma_wait3A_551 : memref<1x128xi32, #tpu.memory_space<vmem>> -> memref<128xi32, #tpu.memory_space<vmem>>
      %dma_wait3A_553 = arith.constant 0 : i32
      %dma_wait3A_554 = arith.constant 0 : i32
      %dma_wait3A_555 = tpu.memref_slice %arg5[%dma_wait3A_553, %dma_wait3A_554] : memref<8192x128xf32, #tpu.memory_space<vmem_shared>> -> memref<8192x128xf32, #tpu.memory_space<vmem_shared>>
      tpu.wait_indirect_dma semaphore(%arg13 : memref<!tpu.dma_semaphore, #tpu.memory_space<semaphore_mem>>) src(%dma_wait3A_555 : memref<8192x128xf32, #tpu.memory_space<vmem_shared>>) dst(%arg10 : memref<128x128xf32, #tpu.memory_space<vmem>>)
      %mul3A_556 = arith.constant 3 : i32
      %mul3A_557 = arith.muli %add3A_452, %mul3A_556 : i32
      %add3A_558 = arith.constant 48 : i32
      %add3A_559 = arith.addi %add3A_558, %mul3A_557 : i32
      %add3A_560 = arith.constant 2 : i32
      %add3A_561 = arith.addi %add3A_559, %add3A_560 : i32
      %dma_start3A_562 = arith.constant 0 : i32
      %dma_start3A_563 = arith.constant 0 : i32
      %dma_start3A_564 = tpu.memref_slice %arg4[%add3A, %add3A_561, %dma_start3A_562, %dma_start3A_563] : memref<32x200x128x128xf32, #tpu.memory_space<hbm>> -> memref<1x1x128x128xf32, #tpu.memory_space<hbm>>
      %dma_start3A_565 = tpu.memref_squeeze %dma_start3A_564 : memref<1x1x128x128xf32, #tpu.memory_space<hbm>> -> memref<128x128xf32, #tpu.memory_space<hbm>>
      %dma_start3A_566 = arith.constant 0 : i32
      %dma_start3A_567 = arith.constant 0 : i32
      %dma_start3A_568 = tpu.memref_slice %arg4[%add3A, %add3A_561, %dma_start3A_566, %dma_start3A_567] : memref<32x200x128x128xf32, #tpu.memory_space<hbm>> -> memref<1x1x128x128xf32, #tpu.memory_space<hbm>>
      %dma_start3A_569 = tpu.memref_squeeze %dma_start3A_568 : memref<1x1x128x128xf32, #tpu.memory_space<hbm>> -> memref<128x128xf32, #tpu.memory_space<hbm>>
      tpu.enqueue_dma source(%arg10 : memref<128x128xf32, #tpu.memory_space<vmem>>) target(%dma_start3A_569 : memref<128x128xf32, #tpu.memory_space<hbm>>) target_semaphore(%arg16 : memref<!tpu.dma_semaphore, #tpu.memory_space<semaphore_mem>>)
    }
    %scan3A_102 = arith.constant 16 : i32
    %dma_start3A_103 = arith.constant 144 : i32
    %dma_start3A_104 = arith.constant 0 : i32
    %dma_start3A_105 = tpu.memref_slice %arg3[%add3A, %dma_start3A_103, %dma_start3A_104] : memref<32x200x128xi32, #tpu.memory_space<hbm>> -> memref<1x48x128xi32, #tpu.memory_space<hbm>>
    %dma_start3A_106 = tpu.memref_squeeze %dma_start3A_105 : memref<1x48x128xi32, #tpu.memory_space<hbm>> -> memref<48x128xi32, #tpu.memory_space<hbm>>
    %dma_start3A_107 = arith.constant 144 : i32
    %dma_start3A_108 = arith.constant 0 : i32
    %dma_start3A_109 = tpu.memref_slice %arg3[%add3A, %dma_start3A_107, %dma_start3A_108] : memref<32x200x128xi32, #tpu.memory_space<hbm>> -> memref<1x48x128xi32, #tpu.memory_space<hbm>>
    %dma_start3A_110 = tpu.memref_squeeze %dma_start3A_109 : memref<1x48x128xi32, #tpu.memory_space<hbm>> -> memref<48x128xi32, #tpu.memory_space<hbm>>
    tpu.enqueue_dma source(%dma_start3A_110 : memref<48x128xi32, #tpu.memory_space<hbm>>) target(%arg7 : memref<48x128xi32, #tpu.memory_space<vmem>>) target_semaphore(%arg17 : memref<!tpu.dma_semaphore, #tpu.memory_space<semaphore_mem>>)
    %dma_wait3A_111 = arith.constant 0 : i32
    %dma_wait3A_112 = arith.constant 0 : i32
    %dma_wait3A_113 = tpu.memref_slice %arg3[%add3A, %dma_wait3A_111, %dma_wait3A_112] : memref<32x200x128xi32, #tpu.memory_space<hbm>> -> memref<1x48x128xi32, #tpu.memory_space<hbm>>
    %dma_wait3A_114 = tpu.memref_squeeze %dma_wait3A_113 : memref<1x48x128xi32, #tpu.memory_space<hbm>> -> memref<48x128xi32, #tpu.memory_space<hbm>>
    %dma_wait3A_115 = arith.constant 0 : i32
    %dma_wait3A_116 = arith.constant 0 : i32
    %dma_wait3A_117 = tpu.memref_slice %arg3[%add3A, %dma_wait3A_115, %dma_wait3A_116] : memref<32x200x128xi32, #tpu.memory_space<hbm>> -> memref<1x48x128xi32, #tpu.memory_space<hbm>>
    %dma_wait3A_118 = tpu.memref_squeeze %dma_wait3A_117 : memref<1x48x128xi32, #tpu.memory_space<hbm>> -> memref<48x128xi32, #tpu.memory_space<hbm>>
    tpu.wait_dma2 semaphore(%arg17 : memref<!tpu.dma_semaphore, #tpu.memory_space<semaphore_mem>>) src(%dma_wait3A_118 : memref<48x128xi32, #tpu.memory_space<hbm>>) dst(%arg6 : memref<48x128xi32, #tpu.memory_space<vmem>>)
    %scan3A_119 = arith.constant 0 : i32
    %scan3A_120 = arith.constant 16 : i32
    %scan3A_121 = arith.addi %scan3A_119, %scan3A_120 : i32
    %scan3A_122 = arith.constant 1 : i32
    scf.for %scan3A_448 = %scan3A_119 to %scan3A_121 step %scan3A_122  : i32 {
      %mul3A_449 = arith.constant 1 : i32
      %mul3A_450 = arith.muli %scan3A_448, %mul3A_449 : i32
      %add3A_451 = arith.constant 0 : i32
      %add3A_452 = arith.addi %add3A_451, %mul3A_450 : i32
      %dma_wait3A_453 = arith.constant 0 : i32
      %dma_wait3A_454 = arith.constant 0 : i32
      %dma_wait3A_455 = arith.constant 0 : i32
      %dma_wait3A_456 = tpu.memref_slice %arg4[%add3A, %dma_wait3A_453, %dma_wait3A_454, %dma_wait3A_455] : memref<32x200x128x128xf32, #tpu.memory_space<hbm>> -> memref<1x1x128x128xf32, #tpu.memory_space<hbm>>
      %dma_wait3A_457 = tpu.memref_squeeze %dma_wait3A_456 : memref<1x1x128x128xf32, #tpu.memory_space<hbm>> -> memref<128x128xf32, #tpu.memory_space<hbm>>
      %dma_wait3A_458 = arith.constant 0 : i32
      %dma_wait3A_459 = arith.constant 0 : i32
      %dma_wait3A_460 = tpu.memref_slice %arg4[%add3A, %dma_wait3A_453, %dma_wait3A_458, %dma_wait3A_459] : memref<32x200x128x128xf32, #tpu.memory_space<hbm>> -> memref<1x1x128x128xf32, #tpu.memory_space<hbm>>
      %dma_wait3A_461 = tpu.memref_squeeze %dma_wait3A_460 : memref<1x1x128x128xf32, #tpu.memory_space<hbm>> -> memref<128x128xf32, #tpu.memory_space<hbm>>
      tpu.wait_dma2 semaphore(%arg14 : memref<!tpu.dma_semaphore, #tpu.memory_space<semaphore_mem>>) src(%arg8 : memref<128x128xf32, #tpu.memory_space<vmem>>) dst(%dma_wait3A_461 : memref<128x128xf32, #tpu.memory_space<hbm>>)
      %mul3A_462 = arith.constant 3 : i32
      %mul3A_463 = arith.muli %add3A_452, %mul3A_462 : i32
      %add3A_464 = arith.constant 0 : i32
      %add3A_465 = arith.addi %mul3A_463, %add3A_464 : i32
      %dma_start3A_466 = arith.constant 0 : i32
      %dma_start3A_467 = tpu.memref_slice %arg6[%add3A_465, %dma_start3A_466] : memref<48x128xi32, #tpu.memory_space<vmem>> -> memref<1x128xi32, #tpu.memory_space<vmem>>
      %dma_start3A_468 = tpu.memref_squeeze %dma_start3A_467 : memref<1x128xi32, #tpu.memory_space<vmem>> -> memref<128xi32, #tpu.memory_space<vmem>>
      %dma_start3A_469 = arith.constant 0 : i32
      %dma_start3A_470 = arith.constant 0 : i32
      %dma_start3A_471 = tpu.memref_slice %arg5[%dma_start3A_469, %dma_start3A_470] : memref<8192x128xf32, #tpu.memory_space<vmem_shared>> -> memref<8192x128xf32, #tpu.memory_space<vmem_shared>>
      tpu.enqueue_indirect_dma source(%dma_start3A_471 : memref<8192x128xf32, #tpu.memory_space<vmem_shared>>) target(%arg8 : memref<128x128xf32, #tpu.memory_space<vmem>>) offsets(%dma_start3A_468 : memref<128xi32, #tpu.memory_space<vmem>>) semaphore(%arg11 : memref<!tpu.dma_semaphore, #tpu.memory_space<semaphore_mem>>)
      %dma_wait3A_472 = arith.constant 0 : i32
      %dma_wait3A_473 = arith.constant 0 : i32
      %dma_wait3A_474 = arith.constant 0 : i32
      %dma_wait3A_475 = tpu.memref_slice %arg4[%add3A, %dma_wait3A_472, %dma_wait3A_473, %dma_wait3A_474] : memref<32x200x128x128xf32, #tpu.memory_space<hbm>> -> memref<1x1x128x128xf32, #tpu.memory_space<hbm>>
      %dma_wait3A_476 = tpu.memref_squeeze %dma_wait3A_475 : memref<1x1x128x128xf32, #tpu.memory_space<hbm>> -> memref<128x128xf32, #tpu.memory_space<hbm>>
      %dma_wait3A_477 = arith.constant 0 : i32
      %dma_wait3A_478 = arith.constant 0 : i32
      %dma_wait3A_479 = tpu.memref_slice %arg4[%add3A, %dma_wait3A_472, %dma_wait3A_477, %dma_wait3A_478] : memref<32x200x128x128xf32, #tpu.memory_space<hbm>> -> memref<1x1x128x128xf32, #tpu.memory_space<hbm>>
      %dma_wait3A_480 = tpu.memref_squeeze %dma_wait3A_479 : memref<1x1x128x128xf32, #tpu.memory_space<hbm>> -> memref<128x128xf32, #tpu.memory_space<hbm>>
      tpu.wait_dma2 semaphore(%arg15 : memref<!tpu.dma_semaphore, #tpu.memory_space<semaphore_mem>>) src(%arg9 : memref<128x128xf32, #tpu.memory_space<vmem>>) dst(%dma_wait3A_480 : memref<128x128xf32, #tpu.memory_space<hbm>>)
      %mul3A_481 = arith.constant 3 : i32
      %mul3A_482 = arith.muli %add3A_452, %mul3A_481 : i32
      %add3A_483 = arith.constant 1 : i32
      %add3A_484 = arith.addi %mul3A_482, %add3A_483 : i32
      %dma_start3A_485 = arith.constant 0 : i32
      %dma_start3A_486 = tpu.memref_slice %arg6[%add3A_484, %dma_start3A_485] : memref<48x128xi32, #tpu.memory_space<vmem>> -> memref<1x128xi32, #tpu.memory_space<vmem>>
      %dma_start3A_487 = tpu.memref_squeeze %dma_start3A_486 : memref<1x128xi32, #tpu.memory_space<vmem>> -> memref<128xi32, #tpu.memory_space<vmem>>
      %dma_start3A_488 = arith.constant 0 : i32
      %dma_start3A_489 = arith.constant 0 : i32
      %dma_start3A_490 = tpu.memref_slice %arg5[%dma_start3A_488, %dma_start3A_489] : memref<8192x128xf32, #tpu.memory_space<vmem_shared>> -> memref<8192x128xf32, #tpu.memory_space<vmem_shared>>
      tpu.enqueue_indirect_dma source(%dma_start3A_490 : memref<8192x128xf32, #tpu.memory_space<vmem_shared>>) target(%arg9 : memref<128x128xf32, #tpu.memory_space<vmem>>) offsets(%dma_start3A_487 : memref<128xi32, #tpu.memory_space<vmem>>) semaphore(%arg12 : memref<!tpu.dma_semaphore, #tpu.memory_space<semaphore_mem>>)
      %dma_wait3A_491 = arith.constant 0 : i32
      %dma_wait3A_492 = arith.constant 0 : i32
      %dma_wait3A_493 = arith.constant 0 : i32
      %dma_wait3A_494 = tpu.memref_slice %arg4[%add3A, %dma_wait3A_491, %dma_wait3A_492, %dma_wait3A_493] : memref<32x200x128x128xf32, #tpu.memory_space<hbm>> -> memref<1x1x128x128xf32, #tpu.memory_space<hbm>>
      %dma_wait3A_495 = tpu.memref_squeeze %dma_wait3A_494 : memref<1x1x128x128xf32, #tpu.memory_space<hbm>> -> memref<128x128xf32, #tpu.memory_space<hbm>>
      %dma_wait3A_496 = arith.constant 0 : i32
      %dma_wait3A_497 = arith.constant 0 : i32
      %dma_wait3A_498 = tpu.memref_slice %arg4[%add3A, %dma_wait3A_491, %dma_wait3A_496, %dma_wait3A_497] : memref<32x200x128x128xf32, #tpu.memory_space<hbm>> -> memref<1x1x128x128xf32, #tpu.memory_space<hbm>>
      %dma_wait3A_499 = tpu.memref_squeeze %dma_wait3A_498 : memref<1x1x128x128xf32, #tpu.memory_space<hbm>> -> memref<128x128xf32, #tpu.memory_space<hbm>>
      tpu.wait_dma2 semaphore(%arg16 : memref<!tpu.dma_semaphore, #tpu.memory_space<semaphore_mem>>) src(%arg10 : memref<128x128xf32, #tpu.memory_space<vmem>>) dst(%dma_wait3A_499 : memref<128x128xf32, #tpu.memory_space<hbm>>)
      %mul3A_500 = arith.constant 3 : i32
      %mul3A_501 = arith.muli %add3A_452, %mul3A_500 : i32
      %add3A_502 = arith.constant 2 : i32
      %add3A_503 = arith.addi %mul3A_501, %add3A_502 : i32
      %dma_start3A_504 = arith.constant 0 : i32
      %dma_start3A_505 = tpu.memref_slice %arg6[%add3A_503, %dma_start3A_504] : memref<48x128xi32, #tpu.memory_space<vmem>> -> memref<1x128xi32, #tpu.memory_space<vmem>>
      %dma_start3A_506 = tpu.memref_squeeze %dma_start3A_505 : memref<1x128xi32, #tpu.memory_space<vmem>> -> memref<128xi32, #tpu.memory_space<vmem>>
      %dma_start3A_507 = arith.constant 0 : i32
      %dma_start3A_508 = arith.constant 0 : i32
      %dma_start3A_509 = tpu.memref_slice %arg5[%dma_start3A_507, %dma_start3A_508] : memref<8192x128xf32, #tpu.memory_space<vmem_shared>> -> memref<8192x128xf32, #tpu.memory_space<vmem_shared>>
      tpu.enqueue_indirect_dma source(%dma_start3A_509 : memref<8192x128xf32, #tpu.memory_space<vmem_shared>>) target(%arg10 : memref<128x128xf32, #tpu.memory_space<vmem>>) offsets(%dma_start3A_506 : memref<128xi32, #tpu.memory_space<vmem>>) semaphore(%arg13 : memref<!tpu.dma_semaphore, #tpu.memory_space<semaphore_mem>>)
      %dma_wait3A_510 = arith.constant 0 : i32
      %dma_wait3A_511 = tpu.memref_slice %arg6[%add3A_465, %dma_wait3A_510] : memref<48x128xi32, #tpu.memory_space<vmem>> -> memref<1x128xi32, #tpu.memory_space<vmem>>
      %dma_wait3A_512 = tpu.memref_squeeze %dma_wait3A_511 : memref<1x128xi32, #tpu.memory_space<vmem>> -> memref<128xi32, #tpu.memory_space<vmem>>
      %dma_wait3A_513 = arith.constant 0 : i32
      %dma_wait3A_514 = arith.constant 0 : i32
      %dma_wait3A_515 = tpu.memref_slice %arg5[%dma_wait3A_513, %dma_wait3A_514] : memref<8192x128xf32, #tpu.memory_space<vmem_shared>> -> memref<8192x128xf32, #tpu.memory_space<vmem_shared>>
      tpu.wait_indirect_dma semaphore(%arg11 : memref<!tpu.dma_semaphore, #tpu.memory_space<semaphore_mem>>) src(%dma_wait3A_515 : memref<8192x128xf32, #tpu.memory_space<vmem_shared>>) dst(%arg8 : memref<128x128xf32, #tpu.memory_space<vmem>>)
      %mul3A_516 = arith.constant 3 : i32
      %mul3A_517 = arith.muli %add3A_452, %mul3A_516 : i32
      %add3A_518 = arith.constant 96 : i32
      %add3A_519 = arith.addi %add3A_518, %mul3A_517 : i32
      %add3A_520 = arith.constant 0 : i32
      %add3A_521 = arith.addi %add3A_519, %add3A_520 : i32
      %dma_start3A_522 = arith.constant 0 : i32
      %dma_start3A_523 = arith.constant 0 : i32
      %dma_start3A_524 = tpu.memref_slice %arg4[%add3A, %add3A_521, %dma_start3A_522, %dma_start3A_523] : memref<32x200x128x128xf32, #tpu.memory_space<hbm>> -> memref<1x1x128x128xf32, #tpu.memory_space<hbm>>
      %dma_start3A_525 = tpu.memref_squeeze %dma_start3A_524 : memref<1x1x128x128xf32, #tpu.memory_space<hbm>> -> memref<128x128xf32, #tpu.memory_space<hbm>>
      %dma_start3A_526 = arith.constant 0 : i32
      %dma_start3A_527 = arith.constant 0 : i32
      %dma_start3A_528 = tpu.memref_slice %arg4[%add3A, %add3A_521, %dma_start3A_526, %dma_start3A_527] : memref<32x200x128x128xf32, #tpu.memory_space<hbm>> -> memref<1x1x128x128xf32, #tpu.memory_space<hbm>>
      %dma_start3A_529 = tpu.memref_squeeze %dma_start3A_528 : memref<1x1x128x128xf32, #tpu.memory_space<hbm>> -> memref<128x128xf32, #tpu.memory_space<hbm>>
      tpu.enqueue_dma source(%arg8 : memref<128x128xf32, #tpu.memory_space<vmem>>) target(%dma_start3A_529 : memref<128x128xf32, #tpu.memory_space<hbm>>) target_semaphore(%arg14 : memref<!tpu.dma_semaphore, #tpu.memory_space<semaphore_mem>>)
      %dma_wait3A_530 = arith.constant 0 : i32
      %dma_wait3A_531 = tpu.memref_slice %arg6[%add3A_484, %dma_wait3A_530] : memref<48x128xi32, #tpu.memory_space<vmem>> -> memref<1x128xi32, #tpu.memory_space<vmem>>
      %dma_wait3A_532 = tpu.memref_squeeze %dma_wait3A_531 : memref<1x128xi32, #tpu.memory_space<vmem>> -> memref<128xi32, #tpu.memory_space<vmem>>
      %dma_wait3A_533 = arith.constant 0 : i32
      %dma_wait3A_534 = arith.constant 0 : i32
      %dma_wait3A_535 = tpu.memref_slice %arg5[%dma_wait3A_533, %dma_wait3A_534] : memref<8192x128xf32, #tpu.memory_space<vmem_shared>> -> memref<8192x128xf32, #tpu.memory_space<vmem_shared>>
      tpu.wait_indirect_dma semaphore(%arg12 : memref<!tpu.dma_semaphore, #tpu.memory_space<semaphore_mem>>) src(%dma_wait3A_535 : memref<8192x128xf32, #tpu.memory_space<vmem_shared>>) dst(%arg9 : memref<128x128xf32, #tpu.memory_space<vmem>>)
      %mul3A_536 = arith.constant 3 : i32
      %mul3A_537 = arith.muli %add3A_452, %mul3A_536 : i32
      %add3A_538 = arith.constant 96 : i32
      %add3A_539 = arith.addi %add3A_538, %mul3A_537 : i32
      %add3A_540 = arith.constant 1 : i32
      %add3A_541 = arith.addi %add3A_539, %add3A_540 : i32
      %dma_start3A_542 = arith.constant 0 : i32
      %dma_start3A_543 = arith.constant 0 : i32
      %dma_start3A_544 = tpu.memref_slice %arg4[%add3A, %add3A_541, %dma_start3A_542, %dma_start3A_543] : memref<32x200x128x128xf32, #tpu.memory_space<hbm>> -> memref<1x1x128x128xf32, #tpu.memory_space<hbm>>
      %dma_start3A_545 = tpu.memref_squeeze %dma_start3A_544 : memref<1x1x128x128xf32, #tpu.memory_space<hbm>> -> memref<128x128xf32, #tpu.memory_space<hbm>>
      %dma_start3A_546 = arith.constant 0 : i32
      %dma_start3A_547 = arith.constant 0 : i32
      %dma_start3A_548 = tpu.memref_slice %arg4[%add3A, %add3A_541, %dma_start3A_546, %dma_start3A_547] : memref<32x200x128x128xf32, #tpu.memory_space<hbm>> -> memref<1x1x128x128xf32, #tpu.memory_space<hbm>>
      %dma_start3A_549 = tpu.memref_squeeze %dma_start3A_548 : memref<1x1x128x128xf32, #tpu.memory_space<hbm>> -> memref<128x128xf32, #tpu.memory_space<hbm>>
      tpu.enqueue_dma source(%arg9 : memref<128x128xf32, #tpu.memory_space<vmem>>) target(%dma_start3A_549 : memref<128x128xf32, #tpu.memory_space<hbm>>) target_semaphore(%arg15 : memref<!tpu.dma_semaphore, #tpu.memory_space<semaphore_mem>>)
      %dma_wait3A_550 = arith.constant 0 : i32
      %dma_wait3A_551 = tpu.memref_slice %arg6[%add3A_503, %dma_wait3A_550] : memref<48x128xi32, #tpu.memory_space<vmem>> -> memref<1x128xi32, #tpu.memory_space<vmem>>
      %dma_wait3A_552 = tpu.memref_squeeze %dma_wait3A_551 : memref<1x128xi32, #tpu.memory_space<vmem>> -> memref<128xi32, #tpu.memory_space<vmem>>
      %dma_wait3A_553 = arith.constant 0 : i32
      %dma_wait3A_554 = arith.constant 0 : i32
      %dma_wait3A_555 = tpu.memref_slice %arg5[%dma_wait3A_553, %dma_wait3A_554] : memref<8192x128xf32, #tpu.memory_space<vmem_shared>> -> memref<8192x128xf32, #tpu.memory_space<vmem_shared>>
      tpu.wait_indirect_dma semaphore(%arg13 : memref<!tpu.dma_semaphore, #tpu.memory_space<semaphore_mem>>) src(%dma_wait3A_555 : memref<8192x128xf32, #tpu.memory_space<vmem_shared>>) dst(%arg10 : memref<128x128xf32, #tpu.memory_space<vmem>>)
      %mul3A_556 = arith.constant 3 : i32
      %mul3A_557 = arith.muli %add3A_452, %mul3A_556 : i32
      %add3A_558 = arith.constant 96 : i32
      %add3A_559 = arith.addi %add3A_558, %mul3A_557 : i32
      %add3A_560 = arith.constant 2 : i32
      %add3A_561 = arith.addi %add3A_559, %add3A_560 : i32
      %dma_start3A_562 = arith.constant 0 : i32
      %dma_start3A_563 = arith.constant 0 : i32
      %dma_start3A_564 = tpu.memref_slice %arg4[%add3A, %add3A_561, %dma_start3A_562, %dma_start3A_563] : memref<32x200x128x128xf32, #tpu.memory_space<hbm>> -> memref<1x1x128x128xf32, #tpu.memory_space<hbm>>
      %dma_start3A_565 = tpu.memref_squeeze %dma_start3A_564 : memref<1x1x128x128xf32, #tpu.memory_space<hbm>> -> memref<128x128xf32, #tpu.memory_space<hbm>>
      %dma_start3A_566 = arith.constant 0 : i32
      %dma_start3A_567 = arith.constant 0 : i32
      %dma_start3A_568 = tpu.memref_slice %arg4[%add3A, %add3A_561, %dma_start3A_566, %dma_start3A_567] : memref<32x200x128x128xf32, #tpu.memory_space<hbm>> -> memref<1x1x128x128xf32, #tpu.memory_space<hbm>>
      %dma_start3A_569 = tpu.memref_squeeze %dma_start3A_568 : memref<1x1x128x128xf32, #tpu.memory_space<hbm>> -> memref<128x128xf32, #tpu.memory_space<hbm>>
      tpu.enqueue_dma source(%arg10 : memref<128x128xf32, #tpu.memory_space<vmem>>) target(%dma_start3A_569 : memref<128x128xf32, #tpu.memory_space<hbm>>) target_semaphore(%arg16 : memref<!tpu.dma_semaphore, #tpu.memory_space<semaphore_mem>>)
    }
    %scan3A_123 = arith.constant 16 : i32
    %dma_start3A_124 = arith.constant 0 : i32
    %dma_start3A_125 = arith.constant 0 : i32
    %dma_start3A_126 = tpu.memref_slice %arg6[%dma_start3A_124, %dma_start3A_125] : memref<48x128xi32, #tpu.memory_space<vmem>> -> memref<8x128xi32, #tpu.memory_space<vmem>>
    %dma_start3A_127 = arith.constant 192 : i32
    %dma_start3A_128 = arith.constant 0 : i32
    %dma_start3A_129 = tpu.memref_slice %arg3[%add3A, %dma_start3A_127, %dma_start3A_128] : memref<32x200x128xi32, #tpu.memory_space<hbm>> -> memref<1x8x128xi32, #tpu.memory_space<hbm>>
    %dma_start3A_130 = tpu.memref_squeeze %dma_start3A_129 : memref<1x8x128xi32, #tpu.memory_space<hbm>> -> memref<8x128xi32, #tpu.memory_space<hbm>>
    %dma_start3A_131 = arith.constant 0 : i32
    %dma_start3A_132 = arith.constant 0 : i32
    %dma_start3A_133 = tpu.memref_slice %arg6[%dma_start3A_131, %dma_start3A_132] : memref<48x128xi32, #tpu.memory_space<vmem>> -> memref<8x128xi32, #tpu.memory_space<vmem>>
    %dma_start3A_134 = arith.constant 192 : i32
    %dma_start3A_135 = arith.constant 0 : i32
    %dma_start3A_136 = tpu.memref_slice %arg3[%add3A, %dma_start3A_134, %dma_start3A_135] : memref<32x200x128xi32, #tpu.memory_space<hbm>> -> memref<1x8x128xi32, #tpu.memory_space<hbm>>
    %dma_start3A_137 = tpu.memref_squeeze %dma_start3A_136 : memref<1x8x128xi32, #tpu.memory_space<hbm>> -> memref<8x128xi32, #tpu.memory_space<hbm>>
    tpu.enqueue_dma source(%dma_start3A_137 : memref<8x128xi32, #tpu.memory_space<hbm>>) target(%dma_start3A_133 : memref<8x128xi32, #tpu.memory_space<vmem>>) target_semaphore(%arg17 : memref<!tpu.dma_semaphore, #tpu.memory_space<semaphore_mem>>)
    %dma_wait3A_138 = arith.constant 0 : i32
    %dma_wait3A_139 = arith.constant 0 : i32
    %dma_wait3A_140 = tpu.memref_slice %arg3[%add3A, %dma_wait3A_138, %dma_wait3A_139] : memref<32x200x128xi32, #tpu.memory_space<hbm>> -> memref<1x48x128xi32, #tpu.memory_space<hbm>>
    %dma_wait3A_141 = tpu.memref_squeeze %dma_wait3A_140 : memref<1x48x128xi32, #tpu.memory_space<hbm>> -> memref<48x128xi32, #tpu.memory_space<hbm>>
    %dma_wait3A_142 = arith.constant 0 : i32
    %dma_wait3A_143 = arith.constant 0 : i32
    %dma_wait3A_144 = tpu.memref_slice %arg3[%add3A, %dma_wait3A_142, %dma_wait3A_143] : memref<32x200x128xi32, #tpu.memory_space<hbm>> -> memref<1x48x128xi32, #tpu.memory_space<hbm>>
    %dma_wait3A_145 = tpu.memref_squeeze %dma_wait3A_144 : memref<1x48x128xi32, #tpu.memory_space<hbm>> -> memref<48x128xi32, #tpu.memory_space<hbm>>
    tpu.wait_dma2 semaphore(%arg17 : memref<!tpu.dma_semaphore, #tpu.memory_space<semaphore_mem>>) src(%dma_wait3A_145 : memref<48x128xi32, #tpu.memory_space<hbm>>) dst(%arg7 : memref<48x128xi32, #tpu.memory_space<vmem>>)
    %scan3A_146 = arith.constant 0 : i32
    %scan3A_147 = arith.constant 16 : i32
    %scan3A_148 = arith.addi %scan3A_146, %scan3A_147 : i32
    %scan3A_149 = arith.constant 1 : i32
    scf.for %scan3A_448 = %scan3A_146 to %scan3A_148 step %scan3A_149  : i32 {
      %mul3A_449 = arith.constant 1 : i32
      %mul3A_450 = arith.muli %scan3A_448, %mul3A_449 : i32
      %add3A_451 = arith.constant 0 : i32
      %add3A_452 = arith.addi %add3A_451, %mul3A_450 : i32
      %dma_wait3A_453 = arith.constant 0 : i32
      %dma_wait3A_454 = arith.constant 0 : i32
      %dma_wait3A_455 = arith.constant 0 : i32
      %dma_wait3A_456 = tpu.memref_slice %arg4[%add3A, %dma_wait3A_453, %dma_wait3A_454, %dma_wait3A_455] : memref<32x200x128x128xf32, #tpu.memory_space<hbm>> -> memref<1x1x128x128xf32, #tpu.memory_space<hbm>>
      %dma_wait3A_457 = tpu.memref_squeeze %dma_wait3A_456 : memref<1x1x128x128xf32, #tpu.memory_space<hbm>> -> memref<128x128xf32, #tpu.memory_space<hbm>>
      %dma_wait3A_458 = arith.constant 0 : i32
      %dma_wait3A_459 = arith.constant 0 : i32
      %dma_wait3A_460 = tpu.memref_slice %arg4[%add3A, %dma_wait3A_453, %dma_wait3A_458, %dma_wait3A_459] : memref<32x200x128x128xf32, #tpu.memory_space<hbm>> -> memref<1x1x128x128xf32, #tpu.memory_space<hbm>>
      %dma_wait3A_461 = tpu.memref_squeeze %dma_wait3A_460 : memref<1x1x128x128xf32, #tpu.memory_space<hbm>> -> memref<128x128xf32, #tpu.memory_space<hbm>>
      tpu.wait_dma2 semaphore(%arg14 : memref<!tpu.dma_semaphore, #tpu.memory_space<semaphore_mem>>) src(%arg8 : memref<128x128xf32, #tpu.memory_space<vmem>>) dst(%dma_wait3A_461 : memref<128x128xf32, #tpu.memory_space<hbm>>)
      %mul3A_462 = arith.constant 3 : i32
      %mul3A_463 = arith.muli %add3A_452, %mul3A_462 : i32
      %add3A_464 = arith.constant 0 : i32
      %add3A_465 = arith.addi %mul3A_463, %add3A_464 : i32
      %dma_start3A_466 = arith.constant 0 : i32
      %dma_start3A_467 = tpu.memref_slice %arg7[%add3A_465, %dma_start3A_466] : memref<48x128xi32, #tpu.memory_space<vmem>> -> memref<1x128xi32, #tpu.memory_space<vmem>>
      %dma_start3A_468 = tpu.memref_squeeze %dma_start3A_467 : memref<1x128xi32, #tpu.memory_space<vmem>> -> memref<128xi32, #tpu.memory_space<vmem>>
      %dma_start3A_469 = arith.constant 0 : i32
      %dma_start3A_470 = arith.constant 0 : i32
      %dma_start3A_471 = tpu.memref_slice %arg5[%dma_start3A_469, %dma_start3A_470] : memref<8192x128xf32, #tpu.memory_space<vmem_shared>> -> memref<8192x128xf32, #tpu.memory_space<vmem_shared>>
      tpu.enqueue_indirect_dma source(%dma_start3A_471 : memref<8192x128xf32, #tpu.memory_space<vmem_shared>>) target(%arg8 : memref<128x128xf32, #tpu.memory_space<vmem>>) offsets(%dma_start3A_468 : memref<128xi32, #tpu.memory_space<vmem>>) semaphore(%arg11 : memref<!tpu.dma_semaphore, #tpu.memory_space<semaphore_mem>>)
      %dma_wait3A_472 = arith.constant 0 : i32
      %dma_wait3A_473 = arith.constant 0 : i32
      %dma_wait3A_474 = arith.constant 0 : i32
      %dma_wait3A_475 = tpu.memref_slice %arg4[%add3A, %dma_wait3A_472, %dma_wait3A_473, %dma_wait3A_474] : memref<32x200x128x128xf32, #tpu.memory_space<hbm>> -> memref<1x1x128x128xf32, #tpu.memory_space<hbm>>
      %dma_wait3A_476 = tpu.memref_squeeze %dma_wait3A_475 : memref<1x1x128x128xf32, #tpu.memory_space<hbm>> -> memref<128x128xf32, #tpu.memory_space<hbm>>
      %dma_wait3A_477 = arith.constant 0 : i32
      %dma_wait3A_478 = arith.constant 0 : i32
      %dma_wait3A_479 = tpu.memref_slice %arg4[%add3A, %dma_wait3A_472, %dma_wait3A_477, %dma_wait3A_478] : memref<32x200x128x128xf32, #tpu.memory_space<hbm>> -> memref<1x1x128x128xf32, #tpu.memory_space<hbm>>
      %dma_wait3A_480 = tpu.memref_squeeze %dma_wait3A_479 : memref<1x1x128x128xf32, #tpu.memory_space<hbm>> -> memref<128x128xf32, #tpu.memory_space<hbm>>
      tpu.wait_dma2 semaphore(%arg15 : memref<!tpu.dma_semaphore, #tpu.memory_space<semaphore_mem>>) src(%arg9 : memref<128x128xf32, #tpu.memory_space<vmem>>) dst(%dma_wait3A_480 : memref<128x128xf32, #tpu.memory_space<hbm>>)
      %mul3A_481 = arith.constant 3 : i32
      %mul3A_482 = arith.muli %add3A_452, %mul3A_481 : i32
      %add3A_483 = arith.constant 1 : i32
      %add3A_484 = arith.addi %mul3A_482, %add3A_483 : i32
      %dma_start3A_485 = arith.constant 0 : i32
      %dma_start3A_486 = tpu.memref_slice %arg7[%add3A_484, %dma_start3A_485] : memref<48x128xi32, #tpu.memory_space<vmem>> -> memref<1x128xi32, #tpu.memory_space<vmem>>
      %dma_start3A_487 = tpu.memref_squeeze %dma_start3A_486 : memref<1x128xi32, #tpu.memory_space<vmem>> -> memref<128xi32, #tpu.memory_space<vmem>>
      %dma_start3A_488 = arith.constant 0 : i32
      %dma_start3A_489 = arith.constant 0 : i32
      %dma_start3A_490 = tpu.memref_slice %arg5[%dma_start3A_488, %dma_start3A_489] : memref<8192x128xf32, #tpu.memory_space<vmem_shared>> -> memref<8192x128xf32, #tpu.memory_space<vmem_shared>>
      tpu.enqueue_indirect_dma source(%dma_start3A_490 : memref<8192x128xf32, #tpu.memory_space<vmem_shared>>) target(%arg9 : memref<128x128xf32, #tpu.memory_space<vmem>>) offsets(%dma_start3A_487 : memref<128xi32, #tpu.memory_space<vmem>>) semaphore(%arg12 : memref<!tpu.dma_semaphore, #tpu.memory_space<semaphore_mem>>)
      %dma_wait3A_491 = arith.constant 0 : i32
      %dma_wait3A_492 = arith.constant 0 : i32
      %dma_wait3A_493 = arith.constant 0 : i32
      %dma_wait3A_494 = tpu.memref_slice %arg4[%add3A, %dma_wait3A_491, %dma_wait3A_492, %dma_wait3A_493] : memref<32x200x128x128xf32, #tpu.memory_space<hbm>> -> memref<1x1x128x128xf32, #tpu.memory_space<hbm>>
      %dma_wait3A_495 = tpu.memref_squeeze %dma_wait3A_494 : memref<1x1x128x128xf32, #tpu.memory_space<hbm>> -> memref<128x128xf32, #tpu.memory_space<hbm>>
      %dma_wait3A_496 = arith.constant 0 : i32
      %dma_wait3A_497 = arith.constant 0 : i32
      %dma_wait3A_498 = tpu.memref_slice %arg4[%add3A, %dma_wait3A_491, %dma_wait3A_496, %dma_wait3A_497] : memref<32x200x128x128xf32, #tpu.memory_space<hbm>> -> memref<1x1x128x128xf32, #tpu.memory_space<hbm>>
      %dma_wait3A_499 = tpu.memref_squeeze %dma_wait3A_498 : memref<1x1x128x128xf32, #tpu.memory_space<hbm>> -> memref<128x128xf32, #tpu.memory_space<hbm>>
      tpu.wait_dma2 semaphore(%arg16 : memref<!tpu.dma_semaphore, #tpu.memory_space<semaphore_mem>>) src(%arg10 : memref<128x128xf32, #tpu.memory_space<vmem>>) dst(%dma_wait3A_499 : memref<128x128xf32, #tpu.memory_space<hbm>>)
      %mul3A_500 = arith.constant 3 : i32
      %mul3A_501 = arith.muli %add3A_452, %mul3A_500 : i32
      %add3A_502 = arith.constant 2 : i32
      %add3A_503 = arith.addi %mul3A_501, %add3A_502 : i32
      %dma_start3A_504 = arith.constant 0 : i32
      %dma_start3A_505 = tpu.memref_slice %arg7[%add3A_503, %dma_start3A_504] : memref<48x128xi32, #tpu.memory_space<vmem>> -> memref<1x128xi32, #tpu.memory_space<vmem>>
      %dma_start3A_506 = tpu.memref_squeeze %dma_start3A_505 : memref<1x128xi32, #tpu.memory_space<vmem>> -> memref<128xi32, #tpu.memory_space<vmem>>
      %dma_start3A_507 = arith.constant 0 : i32
      %dma_start3A_508 = arith.constant 0 : i32
      %dma_start3A_509 = tpu.memref_slice %arg5[%dma_start3A_507, %dma_start3A_508] : memref<8192x128xf32, #tpu.memory_space<vmem_shared>> -> memref<8192x128xf32, #tpu.memory_space<vmem_shared>>
      tpu.enqueue_indirect_dma source(%dma_start3A_509 : memref<8192x128xf32, #tpu.memory_space<vmem_shared>>) target(%arg10 : memref<128x128xf32, #tpu.memory_space<vmem>>) offsets(%dma_start3A_506 : memref<128xi32, #tpu.memory_space<vmem>>) semaphore(%arg13 : memref<!tpu.dma_semaphore, #tpu.memory_space<semaphore_mem>>)
      %dma_wait3A_510 = arith.constant 0 : i32
      %dma_wait3A_511 = tpu.memref_slice %arg7[%add3A_465, %dma_wait3A_510] : memref<48x128xi32, #tpu.memory_space<vmem>> -> memref<1x128xi32, #tpu.memory_space<vmem>>
      %dma_wait3A_512 = tpu.memref_squeeze %dma_wait3A_511 : memref<1x128xi32, #tpu.memory_space<vmem>> -> memref<128xi32, #tpu.memory_space<vmem>>
      %dma_wait3A_513 = arith.constant 0 : i32
      %dma_wait3A_514 = arith.constant 0 : i32
      %dma_wait3A_515 = tpu.memref_slice %arg5[%dma_wait3A_513, %dma_wait3A_514] : memref<8192x128xf32, #tpu.memory_space<vmem_shared>> -> memref<8192x128xf32, #tpu.memory_space<vmem_shared>>
      tpu.wait_indirect_dma semaphore(%arg11 : memref<!tpu.dma_semaphore, #tpu.memory_space<semaphore_mem>>) src(%dma_wait3A_515 : memref<8192x128xf32, #tpu.memory_space<vmem_shared>>) dst(%arg8 : memref<128x128xf32, #tpu.memory_space<vmem>>)
      %mul3A_516 = arith.constant 3 : i32
      %mul3A_517 = arith.muli %add3A_452, %mul3A_516 : i32
      %add3A_518 = arith.constant 144 : i32
      %add3A_519 = arith.addi %add3A_518, %mul3A_517 : i32
      %add3A_520 = arith.constant 0 : i32
      %add3A_521 = arith.addi %add3A_519, %add3A_520 : i32
      %dma_start3A_522 = arith.constant 0 : i32
      %dma_start3A_523 = arith.constant 0 : i32
      %dma_start3A_524 = tpu.memref_slice %arg4[%add3A, %add3A_521, %dma_start3A_522, %dma_start3A_523] : memref<32x200x128x128xf32, #tpu.memory_space<hbm>> -> memref<1x1x128x128xf32, #tpu.memory_space<hbm>>
      %dma_start3A_525 = tpu.memref_squeeze %dma_start3A_524 : memref<1x1x128x128xf32, #tpu.memory_space<hbm>> -> memref<128x128xf32, #tpu.memory_space<hbm>>
      %dma_start3A_526 = arith.constant 0 : i32
      %dma_start3A_527 = arith.constant 0 : i32
      %dma_start3A_528 = tpu.memref_slice %arg4[%add3A, %add3A_521, %dma_start3A_526, %dma_start3A_527] : memref<32x200x128x128xf32, #tpu.memory_space<hbm>> -> memref<1x1x128x128xf32, #tpu.memory_space<hbm>>
      %dma_start3A_529 = tpu.memref_squeeze %dma_start3A_528 : memref<1x1x128x128xf32, #tpu.memory_space<hbm>> -> memref<128x128xf32, #tpu.memory_space<hbm>>
      tpu.enqueue_dma source(%arg8 : memref<128x128xf32, #tpu.memory_space<vmem>>) target(%dma_start3A_529 : memref<128x128xf32, #tpu.memory_space<hbm>>) target_semaphore(%arg14 : memref<!tpu.dma_semaphore, #tpu.memory_space<semaphore_mem>>)
      %dma_wait3A_530 = arith.constant 0 : i32
      %dma_wait3A_531 = tpu.memref_slice %arg7[%add3A_484, %dma_wait3A_530] : memref<48x128xi32, #tpu.memory_space<vmem>> -> memref<1x128xi32, #tpu.memory_space<vmem>>
      %dma_wait3A_532 = tpu.memref_squeeze %dma_wait3A_531 : memref<1x128xi32, #tpu.memory_space<vmem>> -> memref<128xi32, #tpu.memory_space<vmem>>
      %dma_wait3A_533 = arith.constant 0 : i32
      %dma_wait3A_534 = arith.constant 0 : i32
      %dma_wait3A_535 = tpu.memref_slice %arg5[%dma_wait3A_533, %dma_wait3A_534] : memref<8192x128xf32, #tpu.memory_space<vmem_shared>> -> memref<8192x128xf32, #tpu.memory_space<vmem_shared>>
      tpu.wait_indirect_dma semaphore(%arg12 : memref<!tpu.dma_semaphore, #tpu.memory_space<semaphore_mem>>) src(%dma_wait3A_535 : memref<8192x128xf32, #tpu.memory_space<vmem_shared>>) dst(%arg9 : memref<128x128xf32, #tpu.memory_space<vmem>>)
      %mul3A_536 = arith.constant 3 : i32
      %mul3A_537 = arith.muli %add3A_452, %mul3A_536 : i32
      %add3A_538 = arith.constant 144 : i32
      %add3A_539 = arith.addi %add3A_538, %mul3A_537 : i32
      %add3A_540 = arith.constant 1 : i32
      %add3A_541 = arith.addi %add3A_539, %add3A_540 : i32
      %dma_start3A_542 = arith.constant 0 : i32
      %dma_start3A_543 = arith.constant 0 : i32
      %dma_start3A_544 = tpu.memref_slice %arg4[%add3A, %add3A_541, %dma_start3A_542, %dma_start3A_543] : memref<32x200x128x128xf32, #tpu.memory_space<hbm>> -> memref<1x1x128x128xf32, #tpu.memory_space<hbm>>
      %dma_start3A_545 = tpu.memref_squeeze %dma_start3A_544 : memref<1x1x128x128xf32, #tpu.memory_space<hbm>> -> memref<128x128xf32, #tpu.memory_space<hbm>>
      %dma_start3A_546 = arith.constant 0 : i32
      %dma_start3A_547 = arith.constant 0 : i32
      %dma_start3A_548 = tpu.memref_slice %arg4[%add3A, %add3A_541, %dma_start3A_546, %dma_start3A_547] : memref<32x200x128x128xf32, #tpu.memory_space<hbm>> -> memref<1x1x128x128xf32, #tpu.memory_space<hbm>>
      %dma_start3A_549 = tpu.memref_squeeze %dma_start3A_548 : memref<1x1x128x128xf32, #tpu.memory_space<hbm>> -> memref<128x128xf32, #tpu.memory_space<hbm>>
      tpu.enqueue_dma source(%arg9 : memref<128x128xf32, #tpu.memory_space<vmem>>) target(%dma_start3A_549 : memref<128x128xf32, #tpu.memory_space<hbm>>) target_semaphore(%arg15 : memref<!tpu.dma_semaphore, #tpu.memory_space<semaphore_mem>>)
      %dma_wait3A_550 = arith.constant 0 : i32
      %dma_wait3A_551 = tpu.memref_slice %arg7[%add3A_503, %dma_wait3A_550] : memref<48x128xi32, #tpu.memory_space<vmem>> -> memref<1x128xi32, #tpu.memory_space<vmem>>
      %dma_wait3A_552 = tpu.memref_squeeze %dma_wait3A_551 : memref<1x128xi32, #tpu.memory_space<vmem>> -> memref<128xi32, #tpu.memory_space<vmem>>
      %dma_wait3A_553 = arith.constant 0 : i32
      %dma_wait3A_554 = arith.constant 0 : i32
      %dma_wait3A_555 = tpu.memref_slice %arg5[%dma_wait3A_553, %dma_wait3A_554] : memref<8192x128xf32, #tpu.memory_space<vmem_shared>> -> memref<8192x128xf32, #tpu.memory_space<vmem_shared>>
      tpu.wait_indirect_dma semaphore(%arg13 : memref<!tpu.dma_semaphore, #tpu.memory_space<semaphore_mem>>) src(%dma_wait3A_555 : memref<8192x128xf32, #tpu.memory_space<vmem_shared>>) dst(%arg10 : memref<128x128xf32, #tpu.memory_space<vmem>>)
      %mul3A_556 = arith.constant 3 : i32
      %mul3A_557 = arith.muli %add3A_452, %mul3A_556 : i32
      %add3A_558 = arith.constant 144 : i32
      %add3A_559 = arith.addi %add3A_558, %mul3A_557 : i32
      %add3A_560 = arith.constant 2 : i32
      %add3A_561 = arith.addi %add3A_559, %add3A_560 : i32
      %dma_start3A_562 = arith.constant 0 : i32
      %dma_start3A_563 = arith.constant 0 : i32
      %dma_start3A_564 = tpu.memref_slice %arg4[%add3A, %add3A_561, %dma_start3A_562, %dma_start3A_563] : memref<32x200x128x128xf32, #tpu.memory_space<hbm>> -> memref<1x1x128x128xf32, #tpu.memory_space<hbm>>
      %dma_start3A_565 = tpu.memref_squeeze %dma_start3A_564 : memref<1x1x128x128xf32, #tpu.memory_space<hbm>> -> memref<128x128xf32, #tpu.memory_space<hbm>>
      %dma_start3A_566 = arith.constant 0 : i32
      %dma_start3A_567 = arith.constant 0 : i32
      %dma_start3A_568 = tpu.memref_slice %arg4[%add3A, %add3A_561, %dma_start3A_566, %dma_start3A_567] : memref<32x200x128x128xf32, #tpu.memory_space<hbm>> -> memref<1x1x128x128xf32, #tpu.memory_space<hbm>>
      %dma_start3A_569 = tpu.memref_squeeze %dma_start3A_568 : memref<1x1x128x128xf32, #tpu.memory_space<hbm>> -> memref<128x128xf32, #tpu.memory_space<hbm>>
      tpu.enqueue_dma source(%arg10 : memref<128x128xf32, #tpu.memory_space<vmem>>) target(%dma_start3A_569 : memref<128x128xf32, #tpu.memory_space<hbm>>) target_semaphore(%arg16 : memref<!tpu.dma_semaphore, #tpu.memory_space<semaphore_mem>>)
    }
    %scan3A_150 = arith.constant 16 : i32
    %dma_wait3A_151 = arith.constant 0 : i32
    %dma_wait3A_152 = arith.constant 0 : i32
    %dma_wait3A_153 = tpu.memref_slice %arg6[%dma_wait3A_151, %dma_wait3A_152] : memref<48x128xi32, #tpu.memory_space<vmem>> -> memref<8x128xi32, #tpu.memory_space<vmem>>
    %dma_wait3A_154 = arith.constant 0 : i32
    %dma_wait3A_155 = arith.constant 0 : i32
    %dma_wait3A_156 = tpu.memref_slice %arg3[%add3A, %dma_wait3A_154, %dma_wait3A_155] : memref<32x200x128xi32, #tpu.memory_space<hbm>> -> memref<1x8x128xi32, #tpu.memory_space<hbm>>
    %dma_wait3A_157 = tpu.memref_squeeze %dma_wait3A_156 : memref<1x8x128xi32, #tpu.memory_space<hbm>> -> memref<8x128xi32, #tpu.memory_space<hbm>>
    %dma_wait3A_158 = arith.constant 0 : i32
    %dma_wait3A_159 = arith.constant 0 : i32
    %dma_wait3A_160 = tpu.memref_slice %arg6[%dma_wait3A_158, %dma_wait3A_159] : memref<48x128xi32, #tpu.memory_space<vmem>> -> memref<8x128xi32, #tpu.memory_space<vmem>>
    %dma_wait3A_161 = arith.constant 0 : i32
    %dma_wait3A_162 = arith.constant 0 : i32
    %dma_wait3A_163 = tpu.memref_slice %arg3[%add3A, %dma_wait3A_161, %dma_wait3A_162] : memref<32x200x128xi32, #tpu.memory_space<hbm>> -> memref<1x8x128xi32, #tpu.memory_space<hbm>>
    %dma_wait3A_164 = tpu.memref_squeeze %dma_wait3A_163 : memref<1x8x128xi32, #tpu.memory_space<hbm>> -> memref<8x128xi32, #tpu.memory_space<hbm>>
    tpu.wait_dma2 semaphore(%arg17 : memref<!tpu.dma_semaphore, #tpu.memory_space<semaphore_mem>>) src(%dma_wait3A_164 : memref<8x128xi32, #tpu.memory_space<hbm>>) dst(%dma_wait3A_160 : memref<8x128xi32, #tpu.memory_space<vmem>>)
    %dma_wait3A_165 = arith.constant 0 : i32
    %dma_wait3A_166 = arith.constant 0 : i32
    %dma_wait3A_167 = arith.constant 0 : i32
    %dma_wait3A_168 = tpu.memref_slice %arg4[%add3A, %dma_wait3A_165, %dma_wait3A_166, %dma_wait3A_167] : memref<32x200x128x128xf32, #tpu.memory_space<hbm>> -> memref<1x1x128x128xf32, #tpu.memory_space<hbm>>
    %dma_wait3A_169 = tpu.memref_squeeze %dma_wait3A_168 : memref<1x1x128x128xf32, #tpu.memory_space<hbm>> -> memref<128x128xf32, #tpu.memory_space<hbm>>
    %dma_wait3A_170 = arith.constant 0 : i32
    %dma_wait3A_171 = arith.constant 0 : i32
    %dma_wait3A_172 = tpu.memref_slice %arg4[%add3A, %dma_wait3A_165, %dma_wait3A_170, %dma_wait3A_171] : memref<32x200x128x128xf32, #tpu.memory_space<hbm>> -> memref<1x1x128x128xf32, #tpu.memory_space<hbm>>
    %dma_wait3A_173 = tpu.memref_squeeze %dma_wait3A_172 : memref<1x1x128x128xf32, #tpu.memory_space<hbm>> -> memref<128x128xf32, #tpu.memory_space<hbm>>
    tpu.wait_dma2 semaphore(%arg14 : memref<!tpu.dma_semaphore, #tpu.memory_space<semaphore_mem>>) src(%arg8 : memref<128x128xf32, #tpu.memory_space<vmem>>) dst(%dma_wait3A_173 : memref<128x128xf32, #tpu.memory_space<hbm>>)
    %dma_start3A_174 = arith.constant 0 : i32
    %dma_start3A_175 = arith.constant 0 : i32
    %dma_start3A_176 = tpu.memref_slice %arg6[%dma_start3A_174, %dma_start3A_175] : memref<48x128xi32, #tpu.memory_space<vmem>> -> memref<1x128xi32, #tpu.memory_space<vmem>>
    %dma_start3A_177 = tpu.memref_squeeze %dma_start3A_176 : memref<1x128xi32, #tpu.memory_space<vmem>> -> memref<128xi32, #tpu.memory_space<vmem>>
    %dma_start3A_178 = arith.constant 0 : i32
    %dma_start3A_179 = arith.constant 0 : i32
    %dma_start3A_180 = tpu.memref_slice %arg5[%dma_start3A_178, %dma_start3A_179] : memref<8192x128xf32, #tpu.memory_space<vmem_shared>> -> memref<8192x128xf32, #tpu.memory_space<vmem_shared>>
    tpu.enqueue_indirect_dma source(%dma_start3A_180 : memref<8192x128xf32, #tpu.memory_space<vmem_shared>>) target(%arg8 : memref<128x128xf32, #tpu.memory_space<vmem>>) offsets(%dma_start3A_177 : memref<128xi32, #tpu.memory_space<vmem>>) semaphore(%arg11 : memref<!tpu.dma_semaphore, #tpu.memory_space<semaphore_mem>>)
    %dma_wait3A_181 = arith.constant 0 : i32
    %dma_wait3A_182 = arith.constant 0 : i32
    %dma_wait3A_183 = arith.constant 0 : i32
    %dma_wait3A_184 = tpu.memref_slice %arg4[%add3A, %dma_wait3A_181, %dma_wait3A_182, %dma_wait3A_183] : memref<32x200x128x128xf32, #tpu.memory_space<hbm>> -> memref<1x1x128x128xf32, #tpu.memory_space<hbm>>
    %dma_wait3A_185 = tpu.memref_squeeze %dma_wait3A_184 : memref<1x1x128x128xf32, #tpu.memory_space<hbm>> -> memref<128x128xf32, #tpu.memory_space<hbm>>
    %dma_wait3A_186 = arith.constant 0 : i32
    %dma_wait3A_187 = arith.constant 0 : i32
    %dma_wait3A_188 = tpu.memref_slice %arg4[%add3A, %dma_wait3A_181, %dma_wait3A_186, %dma_wait3A_187] : memref<32x200x128x128xf32, #tpu.memory_space<hbm>> -> memref<1x1x128x128xf32, #tpu.memory_space<hbm>>
    %dma_wait3A_189 = tpu.memref_squeeze %dma_wait3A_188 : memref<1x1x128x128xf32, #tpu.memory_space<hbm>> -> memref<128x128xf32, #tpu.memory_space<hbm>>
    tpu.wait_dma2 semaphore(%arg15 : memref<!tpu.dma_semaphore, #tpu.memory_space<semaphore_mem>>) src(%arg9 : memref<128x128xf32, #tpu.memory_space<vmem>>) dst(%dma_wait3A_189 : memref<128x128xf32, #tpu.memory_space<hbm>>)
    %dma_start3A_190 = arith.constant 1 : i32
    %dma_start3A_191 = arith.constant 0 : i32
    %dma_start3A_192 = tpu.memref_slice %arg6[%dma_start3A_190, %dma_start3A_191] : memref<48x128xi32, #tpu.memory_space<vmem>> -> memref<1x128xi32, #tpu.memory_space<vmem>>
    %dma_start3A_193 = tpu.memref_squeeze %dma_start3A_192 : memref<1x128xi32, #tpu.memory_space<vmem>> -> memref<128xi32, #tpu.memory_space<vmem>>
    %dma_start3A_194 = arith.constant 0 : i32
    %dma_start3A_195 = arith.constant 0 : i32
    %dma_start3A_196 = tpu.memref_slice %arg5[%dma_start3A_194, %dma_start3A_195] : memref<8192x128xf32, #tpu.memory_space<vmem_shared>> -> memref<8192x128xf32, #tpu.memory_space<vmem_shared>>
    tpu.enqueue_indirect_dma source(%dma_start3A_196 : memref<8192x128xf32, #tpu.memory_space<vmem_shared>>) target(%arg9 : memref<128x128xf32, #tpu.memory_space<vmem>>) offsets(%dma_start3A_193 : memref<128xi32, #tpu.memory_space<vmem>>) semaphore(%arg12 : memref<!tpu.dma_semaphore, #tpu.memory_space<semaphore_mem>>)
    %dma_wait3A_197 = arith.constant 0 : i32
    %dma_wait3A_198 = arith.constant 0 : i32
    %dma_wait3A_199 = arith.constant 0 : i32
    %dma_wait3A_200 = tpu.memref_slice %arg4[%add3A, %dma_wait3A_197, %dma_wait3A_198, %dma_wait3A_199] : memref<32x200x128x128xf32, #tpu.memory_space<hbm>> -> memref<1x1x128x128xf32, #tpu.memory_space<hbm>>
    %dma_wait3A_201 = tpu.memref_squeeze %dma_wait3A_200 : memref<1x1x128x128xf32, #tpu.memory_space<hbm>> -> memref<128x128xf32, #tpu.memory_space<hbm>>
    %dma_wait3A_202 = arith.constant 0 : i32
    %dma_wait3A_203 = arith.constant 0 : i32
    %dma_wait3A_204 = tpu.memref_slice %arg4[%add3A, %dma_wait3A_197, %dma_wait3A_202, %dma_wait3A_203] : memref<32x200x128x128xf32, #tpu.memory_space<hbm>> -> memref<1x1x128x128xf32, #tpu.memory_space<hbm>>
    %dma_wait3A_205 = tpu.memref_squeeze %dma_wait3A_204 : memref<1x1x128x128xf32, #tpu.memory_space<hbm>> -> memref<128x128xf32, #tpu.memory_space<hbm>>
    tpu.wait_dma2 semaphore(%arg16 : memref<!tpu.dma_semaphore, #tpu.memory_space<semaphore_mem>>) src(%arg10 : memref<128x128xf32, #tpu.memory_space<vmem>>) dst(%dma_wait3A_205 : memref<128x128xf32, #tpu.memory_space<hbm>>)
    %dma_start3A_206 = arith.constant 2 : i32
    %dma_start3A_207 = arith.constant 0 : i32
    %dma_start3A_208 = tpu.memref_slice %arg6[%dma_start3A_206, %dma_start3A_207] : memref<48x128xi32, #tpu.memory_space<vmem>> -> memref<1x128xi32, #tpu.memory_space<vmem>>
    %dma_start3A_209 = tpu.memref_squeeze %dma_start3A_208 : memref<1x128xi32, #tpu.memory_space<vmem>> -> memref<128xi32, #tpu.memory_space<vmem>>
    %dma_start3A_210 = arith.constant 0 : i32
    %dma_start3A_211 = arith.constant 0 : i32
    %dma_start3A_212 = tpu.memref_slice %arg5[%dma_start3A_210, %dma_start3A_211] : memref<8192x128xf32, #tpu.memory_space<vmem_shared>> -> memref<8192x128xf32, #tpu.memory_space<vmem_shared>>
    tpu.enqueue_indirect_dma source(%dma_start3A_212 : memref<8192x128xf32, #tpu.memory_space<vmem_shared>>) target(%arg10 : memref<128x128xf32, #tpu.memory_space<vmem>>) offsets(%dma_start3A_209 : memref<128xi32, #tpu.memory_space<vmem>>) semaphore(%arg13 : memref<!tpu.dma_semaphore, #tpu.memory_space<semaphore_mem>>)
    %dma_wait3A_213 = arith.constant 0 : i32
    %dma_wait3A_214 = arith.constant 0 : i32
    %dma_wait3A_215 = tpu.memref_slice %arg6[%dma_wait3A_213, %dma_wait3A_214] : memref<48x128xi32, #tpu.memory_space<vmem>> -> memref<1x128xi32, #tpu.memory_space<vmem>>
    %dma_wait3A_216 = tpu.memref_squeeze %dma_wait3A_215 : memref<1x128xi32, #tpu.memory_space<vmem>> -> memref<128xi32, #tpu.memory_space<vmem>>
    %dma_wait3A_217 = arith.constant 0 : i32
    %dma_wait3A_218 = arith.constant 0 : i32
    %dma_wait3A_219 = tpu.memref_slice %arg5[%dma_wait3A_217, %dma_wait3A_218] : memref<8192x128xf32, #tpu.memory_space<vmem_shared>> -> memref<8192x128xf32, #tpu.memory_space<vmem_shared>>
    tpu.wait_indirect_dma semaphore(%arg11 : memref<!tpu.dma_semaphore, #tpu.memory_space<semaphore_mem>>) src(%dma_wait3A_219 : memref<8192x128xf32, #tpu.memory_space<vmem_shared>>) dst(%arg8 : memref<128x128xf32, #tpu.memory_space<vmem>>)
    %dma_start3A_220 = arith.constant 192 : i32
    %dma_start3A_221 = arith.constant 0 : i32
    %dma_start3A_222 = arith.constant 0 : i32
    %dma_start3A_223 = tpu.memref_slice %arg4[%add3A, %dma_start3A_220, %dma_start3A_221, %dma_start3A_222] : memref<32x200x128x128xf32, #tpu.memory_space<hbm>> -> memref<1x1x128x128xf32, #tpu.memory_space<hbm>>
    %dma_start3A_224 = tpu.memref_squeeze %dma_start3A_223 : memref<1x1x128x128xf32, #tpu.memory_space<hbm>> -> memref<128x128xf32, #tpu.memory_space<hbm>>
    %dma_start3A_225 = arith.constant 0 : i32
    %dma_start3A_226 = arith.constant 0 : i32
    %dma_start3A_227 = tpu.memref_slice %arg4[%add3A, %dma_start3A_220, %dma_start3A_225, %dma_start3A_226] : memref<32x200x128x128xf32, #tpu.memory_space<hbm>> -> memref<1x1x128x128xf32, #tpu.memory_space<hbm>>
    %dma_start3A_228 = tpu.memref_squeeze %dma_start3A_227 : memref<1x1x128x128xf32, #tpu.memory_space<hbm>> -> memref<128x128xf32, #tpu.memory_space<hbm>>
    tpu.enqueue_dma source(%arg8 : memref<128x128xf32, #tpu.memory_space<vmem>>) target(%dma_start3A_228 : memref<128x128xf32, #tpu.memory_space<hbm>>) target_semaphore(%arg14 : memref<!tpu.dma_semaphore, #tpu.memory_space<semaphore_mem>>)
    %dma_wait3A_229 = arith.constant 1 : i32
    %dma_wait3A_230 = arith.constant 0 : i32
    %dma_wait3A_231 = tpu.memref_slice %arg6[%dma_wait3A_229, %dma_wait3A_230] : memref<48x128xi32, #tpu.memory_space<vmem>> -> memref<1x128xi32, #tpu.memory_space<vmem>>
    %dma_wait3A_232 = tpu.memref_squeeze %dma_wait3A_231 : memref<1x128xi32, #tpu.memory_space<vmem>> -> memref<128xi32, #tpu.memory_space<vmem>>
    %dma_wait3A_233 = arith.constant 0 : i32
    %dma_wait3A_234 = arith.constant 0 : i32
    %dma_wait3A_235 = tpu.memref_slice %arg5[%dma_wait3A_233, %dma_wait3A_234] : memref<8192x128xf32, #tpu.memory_space<vmem_shared>> -> memref<8192x128xf32, #tpu.memory_space<vmem_shared>>
    tpu.wait_indirect_dma semaphore(%arg12 : memref<!tpu.dma_semaphore, #tpu.memory_space<semaphore_mem>>) src(%dma_wait3A_235 : memref<8192x128xf32, #tpu.memory_space<vmem_shared>>) dst(%arg9 : memref<128x128xf32, #tpu.memory_space<vmem>>)
    %dma_start3A_236 = arith.constant 193 : i32
    %dma_start3A_237 = arith.constant 0 : i32
    %dma_start3A_238 = arith.constant 0 : i32
    %dma_start3A_239 = tpu.memref_slice %arg4[%add3A, %dma_start3A_236, %dma_start3A_237, %dma_start3A_238] : memref<32x200x128x128xf32, #tpu.memory_space<hbm>> -> memref<1x1x128x128xf32, #tpu.memory_space<hbm>>
    %dma_start3A_240 = tpu.memref_squeeze %dma_start3A_239 : memref<1x1x128x128xf32, #tpu.memory_space<hbm>> -> memref<128x128xf32, #tpu.memory_space<hbm>>
    %dma_start3A_241 = arith.constant 0 : i32
    %dma_start3A_242 = arith.constant 0 : i32
    %dma_start3A_243 = tpu.memref_slice %arg4[%add3A, %dma_start3A_236, %dma_start3A_241, %dma_start3A_242] : memref<32x200x128x128xf32, #tpu.memory_space<hbm>> -> memref<1x1x128x128xf32, #tpu.memory_space<hbm>>
    %dma_start3A_244 = tpu.memref_squeeze %dma_start3A_243 : memref<1x1x128x128xf32, #tpu.memory_space<hbm>> -> memref<128x128xf32, #tpu.memory_space<hbm>>
    tpu.enqueue_dma source(%arg9 : memref<128x128xf32, #tpu.memory_space<vmem>>) target(%dma_start3A_244 : memref<128x128xf32, #tpu.memory_space<hbm>>) target_semaphore(%arg15 : memref<!tpu.dma_semaphore, #tpu.memory_space<semaphore_mem>>)
    %dma_wait3A_245 = arith.constant 2 : i32
    %dma_wait3A_246 = arith.constant 0 : i32
    %dma_wait3A_247 = tpu.memref_slice %arg6[%dma_wait3A_245, %dma_wait3A_246] : memref<48x128xi32, #tpu.memory_space<vmem>> -> memref<1x128xi32, #tpu.memory_space<vmem>>
    %dma_wait3A_248 = tpu.memref_squeeze %dma_wait3A_247 : memref<1x128xi32, #tpu.memory_space<vmem>> -> memref<128xi32, #tpu.memory_space<vmem>>
    %dma_wait3A_249 = arith.constant 0 : i32
    %dma_wait3A_250 = arith.constant 0 : i32
    %dma_wait3A_251 = tpu.memref_slice %arg5[%dma_wait3A_249, %dma_wait3A_250] : memref<8192x128xf32, #tpu.memory_space<vmem_shared>> -> memref<8192x128xf32, #tpu.memory_space<vmem_shared>>
    tpu.wait_indirect_dma semaphore(%arg13 : memref<!tpu.dma_semaphore, #tpu.memory_space<semaphore_mem>>) src(%dma_wait3A_251 : memref<8192x128xf32, #tpu.memory_space<vmem_shared>>) dst(%arg10 : memref<128x128xf32, #tpu.memory_space<vmem>>)
    %dma_start3A_252 = arith.constant 194 : i32
    %dma_start3A_253 = arith.constant 0 : i32
    %dma_start3A_254 = arith.constant 0 : i32
    %dma_start3A_255 = tpu.memref_slice %arg4[%add3A, %dma_start3A_252, %dma_start3A_253, %dma_start3A_254] : memref<32x200x128x128xf32, #tpu.memory_space<hbm>> -> memref<1x1x128x128xf32, #tpu.memory_space<hbm>>
    %dma_start3A_256 = tpu.memref_squeeze %dma_start3A_255 : memref<1x1x128x128xf32, #tpu.memory_space<hbm>> -> memref<128x128xf32, #tpu.memory_space<hbm>>
    %dma_start3A_257 = arith.constant 0 : i32
    %dma_start3A_258 = arith.constant 0 : i32
    %dma_start3A_259 = tpu.memref_slice %arg4[%add3A, %dma_start3A_252, %dma_start3A_257, %dma_start3A_258] : memref<32x200x128x128xf32, #tpu.memory_space<hbm>> -> memref<1x1x128x128xf32, #tpu.memory_space<hbm>>
    %dma_start3A_260 = tpu.memref_squeeze %dma_start3A_259 : memref<1x1x128x128xf32, #tpu.memory_space<hbm>> -> memref<128x128xf32, #tpu.memory_space<hbm>>
    tpu.enqueue_dma source(%arg10 : memref<128x128xf32, #tpu.memory_space<vmem>>) target(%dma_start3A_260 : memref<128x128xf32, #tpu.memory_space<hbm>>) target_semaphore(%arg16 : memref<!tpu.dma_semaphore, #tpu.memory_space<semaphore_mem>>)
    %dma_wait3A_261 = arith.constant 0 : i32
    %dma_wait3A_262 = arith.constant 0 : i32
    %dma_wait3A_263 = arith.constant 0 : i32
    %dma_wait3A_264 = tpu.memref_slice %arg4[%add3A, %dma_wait3A_261, %dma_wait3A_262, %dma_wait3A_263] : memref<32x200x128x128xf32, #tpu.memory_space<hbm>> -> memref<1x1x128x128xf32, #tpu.memory_space<hbm>>
    %dma_wait3A_265 = tpu.memref_squeeze %dma_wait3A_264 : memref<1x1x128x128xf32, #tpu.memory_space<hbm>> -> memref<128x128xf32, #tpu.memory_space<hbm>>
    %dma_wait3A_266 = arith.constant 0 : i32
    %dma_wait3A_267 = arith.constant 0 : i32
    %dma_wait3A_268 = tpu.memref_slice %arg4[%add3A, %dma_wait3A_261, %dma_wait3A_266, %dma_wait3A_267] : memref<32x200x128x128xf32, #tpu.memory_space<hbm>> -> memref<1x1x128x128xf32, #tpu.memory_space<hbm>>
    %dma_wait3A_269 = tpu.memref_squeeze %dma_wait3A_268 : memref<1x1x128x128xf32, #tpu.memory_space<hbm>> -> memref<128x128xf32, #tpu.memory_space<hbm>>
    tpu.wait_dma2 semaphore(%arg14 : memref<!tpu.dma_semaphore, #tpu.memory_space<semaphore_mem>>) src(%arg8 : memref<128x128xf32, #tpu.memory_space<vmem>>) dst(%dma_wait3A_269 : memref<128x128xf32, #tpu.memory_space<hbm>>)
    %dma_start3A_270 = arith.constant 3 : i32
    %dma_start3A_271 = arith.constant 0 : i32
    %dma_start3A_272 = tpu.memref_slice %arg6[%dma_start3A_270, %dma_start3A_271] : memref<48x128xi32, #tpu.memory_space<vmem>> -> memref<1x128xi32, #tpu.memory_space<vmem>>
    %dma_start3A_273 = tpu.memref_squeeze %dma_start3A_272 : memref<1x128xi32, #tpu.memory_space<vmem>> -> memref<128xi32, #tpu.memory_space<vmem>>
    %dma_start3A_274 = arith.constant 0 : i32
    %dma_start3A_275 = arith.constant 0 : i32
    %dma_start3A_276 = tpu.memref_slice %arg5[%dma_start3A_274, %dma_start3A_275] : memref<8192x128xf32, #tpu.memory_space<vmem_shared>> -> memref<8192x128xf32, #tpu.memory_space<vmem_shared>>
    tpu.enqueue_indirect_dma source(%dma_start3A_276 : memref<8192x128xf32, #tpu.memory_space<vmem_shared>>) target(%arg8 : memref<128x128xf32, #tpu.memory_space<vmem>>) offsets(%dma_start3A_273 : memref<128xi32, #tpu.memory_space<vmem>>) semaphore(%arg11 : memref<!tpu.dma_semaphore, #tpu.memory_space<semaphore_mem>>)
    %dma_wait3A_277 = arith.constant 0 : i32
    %dma_wait3A_278 = arith.constant 0 : i32
    %dma_wait3A_279 = arith.constant 0 : i32
    %dma_wait3A_280 = tpu.memref_slice %arg4[%add3A, %dma_wait3A_277, %dma_wait3A_278, %dma_wait3A_279] : memref<32x200x128x128xf32, #tpu.memory_space<hbm>> -> memref<1x1x128x128xf32, #tpu.memory_space<hbm>>
    %dma_wait3A_281 = tpu.memref_squeeze %dma_wait3A_280 : memref<1x1x128x128xf32, #tpu.memory_space<hbm>> -> memref<128x128xf32, #tpu.memory_space<hbm>>
    %dma_wait3A_282 = arith.constant 0 : i32
    %dma_wait3A_283 = arith.constant 0 : i32
    %dma_wait3A_284 = tpu.memref_slice %arg4[%add3A, %dma_wait3A_277, %dma_wait3A_282, %dma_wait3A_283] : memref<32x200x128x128xf32, #tpu.memory_space<hbm>> -> memref<1x1x128x128xf32, #tpu.memory_space<hbm>>
    %dma_wait3A_285 = tpu.memref_squeeze %dma_wait3A_284 : memref<1x1x128x128xf32, #tpu.memory_space<hbm>> -> memref<128x128xf32, #tpu.memory_space<hbm>>
    tpu.wait_dma2 semaphore(%arg15 : memref<!tpu.dma_semaphore, #tpu.memory_space<semaphore_mem>>) src(%arg9 : memref<128x128xf32, #tpu.memory_space<vmem>>) dst(%dma_wait3A_285 : memref<128x128xf32, #tpu.memory_space<hbm>>)
    %dma_start3A_286 = arith.constant 4 : i32
    %dma_start3A_287 = arith.constant 0 : i32
    %dma_start3A_288 = tpu.memref_slice %arg6[%dma_start3A_286, %dma_start3A_287] : memref<48x128xi32, #tpu.memory_space<vmem>> -> memref<1x128xi32, #tpu.memory_space<vmem>>
    %dma_start3A_289 = tpu.memref_squeeze %dma_start3A_288 : memref<1x128xi32, #tpu.memory_space<vmem>> -> memref<128xi32, #tpu.memory_space<vmem>>
    %dma_start3A_290 = arith.constant 0 : i32
    %dma_start3A_291 = arith.constant 0 : i32
    %dma_start3A_292 = tpu.memref_slice %arg5[%dma_start3A_290, %dma_start3A_291] : memref<8192x128xf32, #tpu.memory_space<vmem_shared>> -> memref<8192x128xf32, #tpu.memory_space<vmem_shared>>
    tpu.enqueue_indirect_dma source(%dma_start3A_292 : memref<8192x128xf32, #tpu.memory_space<vmem_shared>>) target(%arg9 : memref<128x128xf32, #tpu.memory_space<vmem>>) offsets(%dma_start3A_289 : memref<128xi32, #tpu.memory_space<vmem>>) semaphore(%arg12 : memref<!tpu.dma_semaphore, #tpu.memory_space<semaphore_mem>>)
    %dma_wait3A_293 = arith.constant 0 : i32
    %dma_wait3A_294 = arith.constant 0 : i32
    %dma_wait3A_295 = arith.constant 0 : i32
    %dma_wait3A_296 = tpu.memref_slice %arg4[%add3A, %dma_wait3A_293, %dma_wait3A_294, %dma_wait3A_295] : memref<32x200x128x128xf32, #tpu.memory_space<hbm>> -> memref<1x1x128x128xf32, #tpu.memory_space<hbm>>
    %dma_wait3A_297 = tpu.memref_squeeze %dma_wait3A_296 : memref<1x1x128x128xf32, #tpu.memory_space<hbm>> -> memref<128x128xf32, #tpu.memory_space<hbm>>
    %dma_wait3A_298 = arith.constant 0 : i32
    %dma_wait3A_299 = arith.constant 0 : i32
    %dma_wait3A_300 = tpu.memref_slice %arg4[%add3A, %dma_wait3A_293, %dma_wait3A_298, %dma_wait3A_299] : memref<32x200x128x128xf32, #tpu.memory_space<hbm>> -> memref<1x1x128x128xf32, #tpu.memory_space<hbm>>
    %dma_wait3A_301 = tpu.memref_squeeze %dma_wait3A_300 : memref<1x1x128x128xf32, #tpu.memory_space<hbm>> -> memref<128x128xf32, #tpu.memory_space<hbm>>
    tpu.wait_dma2 semaphore(%arg16 : memref<!tpu.dma_semaphore, #tpu.memory_space<semaphore_mem>>) src(%arg10 : memref<128x128xf32, #tpu.memory_space<vmem>>) dst(%dma_wait3A_301 : memref<128x128xf32, #tpu.memory_space<hbm>>)
    %dma_start3A_302 = arith.constant 5 : i32
    %dma_start3A_303 = arith.constant 0 : i32
    %dma_start3A_304 = tpu.memref_slice %arg6[%dma_start3A_302, %dma_start3A_303] : memref<48x128xi32, #tpu.memory_space<vmem>> -> memref<1x128xi32, #tpu.memory_space<vmem>>
    %dma_start3A_305 = tpu.memref_squeeze %dma_start3A_304 : memref<1x128xi32, #tpu.memory_space<vmem>> -> memref<128xi32, #tpu.memory_space<vmem>>
    %dma_start3A_306 = arith.constant 0 : i32
    %dma_start3A_307 = arith.constant 0 : i32
    %dma_start3A_308 = tpu.memref_slice %arg5[%dma_start3A_306, %dma_start3A_307] : memref<8192x128xf32, #tpu.memory_space<vmem_shared>> -> memref<8192x128xf32, #tpu.memory_space<vmem_shared>>
    tpu.enqueue_indirect_dma source(%dma_start3A_308 : memref<8192x128xf32, #tpu.memory_space<vmem_shared>>) target(%arg10 : memref<128x128xf32, #tpu.memory_space<vmem>>) offsets(%dma_start3A_305 : memref<128xi32, #tpu.memory_space<vmem>>) semaphore(%arg13 : memref<!tpu.dma_semaphore, #tpu.memory_space<semaphore_mem>>)
    %dma_wait3A_309 = arith.constant 3 : i32
    %dma_wait3A_310 = arith.constant 0 : i32
    %dma_wait3A_311 = tpu.memref_slice %arg6[%dma_wait3A_309, %dma_wait3A_310] : memref<48x128xi32, #tpu.memory_space<vmem>> -> memref<1x128xi32, #tpu.memory_space<vmem>>
    %dma_wait3A_312 = tpu.memref_squeeze %dma_wait3A_311 : memref<1x128xi32, #tpu.memory_space<vmem>> -> memref<128xi32, #tpu.memory_space<vmem>>
    %dma_wait3A_313 = arith.constant 0 : i32
    %dma_wait3A_314 = arith.constant 0 : i32
    %dma_wait3A_315 = tpu.memref_slice %arg5[%dma_wait3A_313, %dma_wait3A_314] : memref<8192x128xf32, #tpu.memory_space<vmem_shared>> -> memref<8192x128xf32, #tpu.memory_space<vmem_shared>>
    tpu.wait_indirect_dma semaphore(%arg11 : memref<!tpu.dma_semaphore, #tpu.memory_space<semaphore_mem>>) src(%dma_wait3A_315 : memref<8192x128xf32, #tpu.memory_space<vmem_shared>>) dst(%arg8 : memref<128x128xf32, #tpu.memory_space<vmem>>)
    %dma_start3A_316 = arith.constant 195 : i32
    %dma_start3A_317 = arith.constant 0 : i32
    %dma_start3A_318 = arith.constant 0 : i32
    %dma_start3A_319 = tpu.memref_slice %arg4[%add3A, %dma_start3A_316, %dma_start3A_317, %dma_start3A_318] : memref<32x200x128x128xf32, #tpu.memory_space<hbm>> -> memref<1x1x128x128xf32, #tpu.memory_space<hbm>>
    %dma_start3A_320 = tpu.memref_squeeze %dma_start3A_319 : memref<1x1x128x128xf32, #tpu.memory_space<hbm>> -> memref<128x128xf32, #tpu.memory_space<hbm>>
    %dma_start3A_321 = arith.constant 0 : i32
    %dma_start3A_322 = arith.constant 0 : i32
    %dma_start3A_323 = tpu.memref_slice %arg4[%add3A, %dma_start3A_316, %dma_start3A_321, %dma_start3A_322] : memref<32x200x128x128xf32, #tpu.memory_space<hbm>> -> memref<1x1x128x128xf32, #tpu.memory_space<hbm>>
    %dma_start3A_324 = tpu.memref_squeeze %dma_start3A_323 : memref<1x1x128x128xf32, #tpu.memory_space<hbm>> -> memref<128x128xf32, #tpu.memory_space<hbm>>
    tpu.enqueue_dma source(%arg8 : memref<128x128xf32, #tpu.memory_space<vmem>>) target(%dma_start3A_324 : memref<128x128xf32, #tpu.memory_space<hbm>>) target_semaphore(%arg14 : memref<!tpu.dma_semaphore, #tpu.memory_space<semaphore_mem>>)
    %dma_wait3A_325 = arith.constant 4 : i32
    %dma_wait3A_326 = arith.constant 0 : i32
    %dma_wait3A_327 = tpu.memref_slice %arg6[%dma_wait3A_325, %dma_wait3A_326] : memref<48x128xi32, #tpu.memory_space<vmem>> -> memref<1x128xi32, #tpu.memory_space<vmem>>
    %dma_wait3A_328 = tpu.memref_squeeze %dma_wait3A_327 : memref<1x128xi32, #tpu.memory_space<vmem>> -> memref<128xi32, #tpu.memory_space<vmem>>
    %dma_wait3A_329 = arith.constant 0 : i32
    %dma_wait3A_330 = arith.constant 0 : i32
    %dma_wait3A_331 = tpu.memref_slice %arg5[%dma_wait3A_329, %dma_wait3A_330] : memref<8192x128xf32, #tpu.memory_space<vmem_shared>> -> memref<8192x128xf32, #tpu.memory_space<vmem_shared>>
    tpu.wait_indirect_dma semaphore(%arg12 : memref<!tpu.dma_semaphore, #tpu.memory_space<semaphore_mem>>) src(%dma_wait3A_331 : memref<8192x128xf32, #tpu.memory_space<vmem_shared>>) dst(%arg9 : memref<128x128xf32, #tpu.memory_space<vmem>>)
    %dma_start3A_332 = arith.constant 196 : i32
    %dma_start3A_333 = arith.constant 0 : i32
    %dma_start3A_334 = arith.constant 0 : i32
    %dma_start3A_335 = tpu.memref_slice %arg4[%add3A, %dma_start3A_332, %dma_start3A_333, %dma_start3A_334] : memref<32x200x128x128xf32, #tpu.memory_space<hbm>> -> memref<1x1x128x128xf32, #tpu.memory_space<hbm>>
    %dma_start3A_336 = tpu.memref_squeeze %dma_start3A_335 : memref<1x1x128x128xf32, #tpu.memory_space<hbm>> -> memref<128x128xf32, #tpu.memory_space<hbm>>
    %dma_start3A_337 = arith.constant 0 : i32
    %dma_start3A_338 = arith.constant 0 : i32
    %dma_start3A_339 = tpu.memref_slice %arg4[%add3A, %dma_start3A_332, %dma_start3A_337, %dma_start3A_338] : memref<32x200x128x128xf32, #tpu.memory_space<hbm>> -> memref<1x1x128x128xf32, #tpu.memory_space<hbm>>
    %dma_start3A_340 = tpu.memref_squeeze %dma_start3A_339 : memref<1x1x128x128xf32, #tpu.memory_space<hbm>> -> memref<128x128xf32, #tpu.memory_space<hbm>>
    tpu.enqueue_dma source(%arg9 : memref<128x128xf32, #tpu.memory_space<vmem>>) target(%dma_start3A_340 : memref<128x128xf32, #tpu.memory_space<hbm>>) target_semaphore(%arg15 : memref<!tpu.dma_semaphore, #tpu.memory_space<semaphore_mem>>)
    %dma_wait3A_341 = arith.constant 5 : i32
    %dma_wait3A_342 = arith.constant 0 : i32
    %dma_wait3A_343 = tpu.memref_slice %arg6[%dma_wait3A_341, %dma_wait3A_342] : memref<48x128xi32, #tpu.memory_space<vmem>> -> memref<1x128xi32, #tpu.memory_space<vmem>>
    %dma_wait3A_344 = tpu.memref_squeeze %dma_wait3A_343 : memref<1x128xi32, #tpu.memory_space<vmem>> -> memref<128xi32, #tpu.memory_space<vmem>>
    %dma_wait3A_345 = arith.constant 0 : i32
    %dma_wait3A_346 = arith.constant 0 : i32
    %dma_wait3A_347 = tpu.memref_slice %arg5[%dma_wait3A_345, %dma_wait3A_346] : memref<8192x128xf32, #tpu.memory_space<vmem_shared>> -> memref<8192x128xf32, #tpu.memory_space<vmem_shared>>
    tpu.wait_indirect_dma semaphore(%arg13 : memref<!tpu.dma_semaphore, #tpu.memory_space<semaphore_mem>>) src(%dma_wait3A_347 : memref<8192x128xf32, #tpu.memory_space<vmem_shared>>) dst(%arg10 : memref<128x128xf32, #tpu.memory_space<vmem>>)
    %dma_start3A_348 = arith.constant 197 : i32
    %dma_start3A_349 = arith.constant 0 : i32
    %dma_start3A_350 = arith.constant 0 : i32
    %dma_start3A_351 = tpu.memref_slice %arg4[%add3A, %dma_start3A_348, %dma_start3A_349, %dma_start3A_350] : memref<32x200x128x128xf32, #tpu.memory_space<hbm>> -> memref<1x1x128x128xf32, #tpu.memory_space<hbm>>
    %dma_start3A_352 = tpu.memref_squeeze %dma_start3A_351 : memref<1x1x128x128xf32, #tpu.memory_space<hbm>> -> memref<128x128xf32, #tpu.memory_space<hbm>>
    %dma_start3A_353 = arith.constant 0 : i32
    %dma_start3A_354 = arith.constant 0 : i32
    %dma_start3A_355 = tpu.memref_slice %arg4[%add3A, %dma_start3A_348, %dma_start3A_353, %dma_start3A_354] : memref<32x200x128x128xf32, #tpu.memory_space<hbm>> -> memref<1x1x128x128xf32, #tpu.memory_space<hbm>>
    %dma_start3A_356 = tpu.memref_squeeze %dma_start3A_355 : memref<1x1x128x128xf32, #tpu.memory_space<hbm>> -> memref<128x128xf32, #tpu.memory_space<hbm>>
    tpu.enqueue_dma source(%arg10 : memref<128x128xf32, #tpu.memory_space<vmem>>) target(%dma_start3A_356 : memref<128x128xf32, #tpu.memory_space<hbm>>) target_semaphore(%arg16 : memref<!tpu.dma_semaphore, #tpu.memory_space<semaphore_mem>>)
    %dma_wait3A_357 = arith.constant 0 : i32
    %dma_wait3A_358 = arith.constant 0 : i32
    %dma_wait3A_359 = arith.constant 0 : i32
    %dma_wait3A_360 = tpu.memref_slice %arg4[%add3A, %dma_wait3A_357, %dma_wait3A_358, %dma_wait3A_359] : memref<32x200x128x128xf32, #tpu.memory_space<hbm>> -> memref<1x1x128x128xf32, #tpu.memory_space<hbm>>
    %dma_wait3A_361 = tpu.memref_squeeze %dma_wait3A_360 : memref<1x1x128x128xf32, #tpu.memory_space<hbm>> -> memref<128x128xf32, #tpu.memory_space<hbm>>
    %dma_wait3A_362 = arith.constant 0 : i32
    %dma_wait3A_363 = arith.constant 0 : i32
    %dma_wait3A_364 = tpu.memref_slice %arg4[%add3A, %dma_wait3A_357, %dma_wait3A_362, %dma_wait3A_363] : memref<32x200x128x128xf32, #tpu.memory_space<hbm>> -> memref<1x1x128x128xf32, #tpu.memory_space<hbm>>
    %dma_wait3A_365 = tpu.memref_squeeze %dma_wait3A_364 : memref<1x1x128x128xf32, #tpu.memory_space<hbm>> -> memref<128x128xf32, #tpu.memory_space<hbm>>
    tpu.wait_dma2 semaphore(%arg14 : memref<!tpu.dma_semaphore, #tpu.memory_space<semaphore_mem>>) src(%arg8 : memref<128x128xf32, #tpu.memory_space<vmem>>) dst(%dma_wait3A_365 : memref<128x128xf32, #tpu.memory_space<hbm>>)
    %dma_start3A_366 = arith.constant 6 : i32
    %dma_start3A_367 = arith.constant 0 : i32
    %dma_start3A_368 = tpu.memref_slice %arg6[%dma_start3A_366, %dma_start3A_367] : memref<48x128xi32, #tpu.memory_space<vmem>> -> memref<1x128xi32, #tpu.memory_space<vmem>>
    %dma_start3A_369 = tpu.memref_squeeze %dma_start3A_368 : memref<1x128xi32, #tpu.memory_space<vmem>> -> memref<128xi32, #tpu.memory_space<vmem>>
    %dma_start3A_370 = arith.constant 0 : i32
    %dma_start3A_371 = arith.constant 0 : i32
    %dma_start3A_372 = tpu.memref_slice %arg5[%dma_start3A_370, %dma_start3A_371] : memref<8192x128xf32, #tpu.memory_space<vmem_shared>> -> memref<8192x128xf32, #tpu.memory_space<vmem_shared>>
    tpu.enqueue_indirect_dma source(%dma_start3A_372 : memref<8192x128xf32, #tpu.memory_space<vmem_shared>>) target(%arg8 : memref<128x128xf32, #tpu.memory_space<vmem>>) offsets(%dma_start3A_369 : memref<128xi32, #tpu.memory_space<vmem>>) semaphore(%arg11 : memref<!tpu.dma_semaphore, #tpu.memory_space<semaphore_mem>>)
    %dma_wait3A_373 = arith.constant 0 : i32
    %dma_wait3A_374 = arith.constant 0 : i32
    %dma_wait3A_375 = arith.constant 0 : i32
    %dma_wait3A_376 = tpu.memref_slice %arg4[%add3A, %dma_wait3A_373, %dma_wait3A_374, %dma_wait3A_375] : memref<32x200x128x128xf32, #tpu.memory_space<hbm>> -> memref<1x1x128x128xf32, #tpu.memory_space<hbm>>
    %dma_wait3A_377 = tpu.memref_squeeze %dma_wait3A_376 : memref<1x1x128x128xf32, #tpu.memory_space<hbm>> -> memref<128x128xf32, #tpu.memory_space<hbm>>
    %dma_wait3A_378 = arith.constant 0 : i32
    %dma_wait3A_379 = arith.constant 0 : i32
    %dma_wait3A_380 = tpu.memref_slice %arg4[%add3A, %dma_wait3A_373, %dma_wait3A_378, %dma_wait3A_379] : memref<32x200x128x128xf32, #tpu.memory_space<hbm>> -> memref<1x1x128x128xf32, #tpu.memory_space<hbm>>
    %dma_wait3A_381 = tpu.memref_squeeze %dma_wait3A_380 : memref<1x1x128x128xf32, #tpu.memory_space<hbm>> -> memref<128x128xf32, #tpu.memory_space<hbm>>
    tpu.wait_dma2 semaphore(%arg16 : memref<!tpu.dma_semaphore, #tpu.memory_space<semaphore_mem>>) src(%arg10 : memref<128x128xf32, #tpu.memory_space<vmem>>) dst(%dma_wait3A_381 : memref<128x128xf32, #tpu.memory_space<hbm>>)
    %dma_start3A_382 = arith.constant 7 : i32
    %dma_start3A_383 = arith.constant 0 : i32
    %dma_start3A_384 = tpu.memref_slice %arg6[%dma_start3A_382, %dma_start3A_383] : memref<48x128xi32, #tpu.memory_space<vmem>> -> memref<1x128xi32, #tpu.memory_space<vmem>>
    %dma_start3A_385 = tpu.memref_squeeze %dma_start3A_384 : memref<1x128xi32, #tpu.memory_space<vmem>> -> memref<128xi32, #tpu.memory_space<vmem>>
    %dma_start3A_386 = arith.constant 0 : i32
    %dma_start3A_387 = arith.constant 0 : i32
    %dma_start3A_388 = tpu.memref_slice %arg5[%dma_start3A_386, %dma_start3A_387] : memref<8192x128xf32, #tpu.memory_space<vmem_shared>> -> memref<8192x128xf32, #tpu.memory_space<vmem_shared>>
    tpu.enqueue_indirect_dma source(%dma_start3A_388 : memref<8192x128xf32, #tpu.memory_space<vmem_shared>>) target(%arg10 : memref<128x128xf32, #tpu.memory_space<vmem>>) offsets(%dma_start3A_385 : memref<128xi32, #tpu.memory_space<vmem>>) semaphore(%arg13 : memref<!tpu.dma_semaphore, #tpu.memory_space<semaphore_mem>>)
    %dma_wait3A_389 = arith.constant 6 : i32
    %dma_wait3A_390 = arith.constant 0 : i32
    %dma_wait3A_391 = tpu.memref_slice %arg6[%dma_wait3A_389, %dma_wait3A_390] : memref<48x128xi32, #tpu.memory_space<vmem>> -> memref<1x128xi32, #tpu.memory_space<vmem>>
    %dma_wait3A_392 = tpu.memref_squeeze %dma_wait3A_391 : memref<1x128xi32, #tpu.memory_space<vmem>> -> memref<128xi32, #tpu.memory_space<vmem>>
    %dma_wait3A_393 = arith.constant 0 : i32
    %dma_wait3A_394 = arith.constant 0 : i32
    %dma_wait3A_395 = tpu.memref_slice %arg5[%dma_wait3A_393, %dma_wait3A_394] : memref<8192x128xf32, #tpu.memory_space<vmem_shared>> -> memref<8192x128xf32, #tpu.memory_space<vmem_shared>>
    tpu.wait_indirect_dma semaphore(%arg11 : memref<!tpu.dma_semaphore, #tpu.memory_space<semaphore_mem>>) src(%dma_wait3A_395 : memref<8192x128xf32, #tpu.memory_space<vmem_shared>>) dst(%arg8 : memref<128x128xf32, #tpu.memory_space<vmem>>)
    %dma_start3A_396 = arith.constant 198 : i32
    %dma_start3A_397 = arith.constant 0 : i32
    %dma_start3A_398 = arith.constant 0 : i32
    %dma_start3A_399 = tpu.memref_slice %arg4[%add3A, %dma_start3A_396, %dma_start3A_397, %dma_start3A_398] : memref<32x200x128x128xf32, #tpu.memory_space<hbm>> -> memref<1x1x128x128xf32, #tpu.memory_space<hbm>>
    %dma_start3A_400 = tpu.memref_squeeze %dma_start3A_399 : memref<1x1x128x128xf32, #tpu.memory_space<hbm>> -> memref<128x128xf32, #tpu.memory_space<hbm>>
    %dma_start3A_401 = arith.constant 0 : i32
    %dma_start3A_402 = arith.constant 0 : i32
    %dma_start3A_403 = tpu.memref_slice %arg4[%add3A, %dma_start3A_396, %dma_start3A_401, %dma_start3A_402] : memref<32x200x128x128xf32, #tpu.memory_space<hbm>> -> memref<1x1x128x128xf32, #tpu.memory_space<hbm>>
    %dma_start3A_404 = tpu.memref_squeeze %dma_start3A_403 : memref<1x1x128x128xf32, #tpu.memory_space<hbm>> -> memref<128x128xf32, #tpu.memory_space<hbm>>
    tpu.enqueue_dma source(%arg8 : memref<128x128xf32, #tpu.memory_space<vmem>>) target(%dma_start3A_404 : memref<128x128xf32, #tpu.memory_space<hbm>>) target_semaphore(%arg14 : memref<!tpu.dma_semaphore, #tpu.memory_space<semaphore_mem>>)
    %dma_wait3A_405 = arith.constant 7 : i32
    %dma_wait3A_406 = arith.constant 0 : i32
    %dma_wait3A_407 = tpu.memref_slice %arg6[%dma_wait3A_405, %dma_wait3A_406] : memref<48x128xi32, #tpu.memory_space<vmem>> -> memref<1x128xi32, #tpu.memory_space<vmem>>
    %dma_wait3A_408 = tpu.memref_squeeze %dma_wait3A_407 : memref<1x128xi32, #tpu.memory_space<vmem>> -> memref<128xi32, #tpu.memory_space<vmem>>
    %dma_wait3A_409 = arith.constant 0 : i32
    %dma_wait3A_410 = arith.constant 0 : i32
    %dma_wait3A_411 = tpu.memref_slice %arg5[%dma_wait3A_409, %dma_wait3A_410] : memref<8192x128xf32, #tpu.memory_space<vmem_shared>> -> memref<8192x128xf32, #tpu.memory_space<vmem_shared>>
    tpu.wait_indirect_dma semaphore(%arg13 : memref<!tpu.dma_semaphore, #tpu.memory_space<semaphore_mem>>) src(%dma_wait3A_411 : memref<8192x128xf32, #tpu.memory_space<vmem_shared>>) dst(%arg10 : memref<128x128xf32, #tpu.memory_space<vmem>>)
    %dma_start3A_412 = arith.constant 199 : i32
    %dma_start3A_413 = arith.constant 0 : i32
    %dma_start3A_414 = arith.constant 0 : i32
    %dma_start3A_415 = tpu.memref_slice %arg4[%add3A, %dma_start3A_412, %dma_start3A_413, %dma_start3A_414] : memref<32x200x128x128xf32, #tpu.memory_space<hbm>> -> memref<1x1x128x128xf32, #tpu.memory_space<hbm>>
    %dma_start3A_416 = tpu.memref_squeeze %dma_start3A_415 : memref<1x1x128x128xf32, #tpu.memory_space<hbm>> -> memref<128x128xf32, #tpu.memory_space<hbm>>
    %dma_start3A_417 = arith.constant 0 : i32
    %dma_start3A_418 = arith.constant 0 : i32
    %dma_start3A_419 = tpu.memref_slice %arg4[%add3A, %dma_start3A_412, %dma_start3A_417, %dma_start3A_418] : memref<32x200x128x128xf32, #tpu.memory_space<hbm>> -> memref<1x1x128x128xf32, #tpu.memory_space<hbm>>
    %dma_start3A_420 = tpu.memref_squeeze %dma_start3A_419 : memref<1x1x128x128xf32, #tpu.memory_space<hbm>> -> memref<128x128xf32, #tpu.memory_space<hbm>>
    tpu.enqueue_dma source(%arg10 : memref<128x128xf32, #tpu.memory_space<vmem>>) target(%dma_start3A_420 : memref<128x128xf32, #tpu.memory_space<hbm>>) target_semaphore(%arg16 : memref<!tpu.dma_semaphore, #tpu.memory_space<semaphore_mem>>)
    %dma_wait3A_421 = arith.constant 0 : i32
    %dma_wait3A_422 = arith.constant 0 : i32
    %dma_wait3A_423 = arith.constant 0 : i32
    %dma_wait3A_424 = tpu.memref_slice %arg4[%add3A, %dma_wait3A_421, %dma_wait3A_422, %dma_wait3A_423] : memref<32x200x128x128xf32, #tpu.memory_space<hbm>> -> memref<1x1x128x128xf32, #tpu.memory_space<hbm>>
    %dma_wait3A_425 = tpu.memref_squeeze %dma_wait3A_424 : memref<1x1x128x128xf32, #tpu.memory_space<hbm>> -> memref<128x128xf32, #tpu.memory_space<hbm>>
    %dma_wait3A_426 = arith.constant 0 : i32
    %dma_wait3A_427 = arith.constant 0 : i32
    %dma_wait3A_428 = tpu.memref_slice %arg4[%add3A, %dma_wait3A_421, %dma_wait3A_426, %dma_wait3A_427] : memref<32x200x128x128xf32, #tpu.memory_space<hbm>> -> memref<1x1x128x128xf32, #tpu.memory_space<hbm>>
    %dma_wait3A_429 = tpu.memref_squeeze %dma_wait3A_428 : memref<1x1x128x128xf32, #tpu.memory_space<hbm>> -> memref<128x128xf32, #tpu.memory_space<hbm>>
    tpu.wait_dma2 semaphore(%arg14 : memref<!tpu.dma_semaphore, #tpu.memory_space<semaphore_mem>>) src(%arg8 : memref<128x128xf32, #tpu.memory_space<vmem>>) dst(%dma_wait3A_429 : memref<128x128xf32, #tpu.memory_space<hbm>>)
    %dma_wait3A_430 = arith.constant 0 : i32
    %dma_wait3A_431 = arith.constant 0 : i32
    %dma_wait3A_432 = arith.constant 0 : i32
    %dma_wait3A_433 = tpu.memref_slice %arg4[%add3A, %dma_wait3A_430, %dma_wait3A_431, %dma_wait3A_432] : memref<32x200x128x128xf32, #tpu.memory_space<hbm>> -> memref<1x1x128x128xf32, #tpu.memory_space<hbm>>
    %dma_wait3A_434 = tpu.memref_squeeze %dma_wait3A_433 : memref<1x1x128x128xf32, #tpu.memory_space<hbm>> -> memref<128x128xf32, #tpu.memory_space<hbm>>
    %dma_wait3A_435 = arith.constant 0 : i32
    %dma_wait3A_436 = arith.constant 0 : i32
    %dma_wait3A_437 = tpu.memref_slice %arg4[%add3A, %dma_wait3A_430, %dma_wait3A_435, %dma_wait3A_436] : memref<32x200x128x128xf32, #tpu.memory_space<hbm>> -> memref<1x1x128x128xf32, #tpu.memory_space<hbm>>
    %dma_wait3A_438 = tpu.memref_squeeze %dma_wait3A_437 : memref<1x1x128x128xf32, #tpu.memory_space<hbm>> -> memref<128x128xf32, #tpu.memory_space<hbm>>
    tpu.wait_dma2 semaphore(%arg15 : memref<!tpu.dma_semaphore, #tpu.memory_space<semaphore_mem>>) src(%arg9 : memref<128x128xf32, #tpu.memory_space<vmem>>) dst(%dma_wait3A_438 : memref<128x128xf32, #tpu.memory_space<hbm>>)
    %dma_wait3A_439 = arith.constant 0 : i32
    %dma_wait3A_440 = arith.constant 0 : i32
    %dma_wait3A_441 = arith.constant 0 : i32
    %dma_wait3A_442 = tpu.memref_slice %arg4[%add3A, %dma_wait3A_439, %dma_wait3A_440, %dma_wait3A_441] : memref<32x200x128x128xf32, #tpu.memory_space<hbm>> -> memref<1x1x128x128xf32, #tpu.memory_space<hbm>>
    %dma_wait3A_443 = tpu.memref_squeeze %dma_wait3A_442 : memref<1x1x128x128xf32, #tpu.memory_space<hbm>> -> memref<128x128xf32, #tpu.memory_space<hbm>>
    %dma_wait3A_444 = arith.constant 0 : i32
    %dma_wait3A_445 = arith.constant 0 : i32
    %dma_wait3A_446 = tpu.memref_slice %arg4[%add3A, %dma_wait3A_439, %dma_wait3A_444, %dma_wait3A_445] : memref<32x200x128x128xf32, #tpu.memory_space<hbm>> -> memref<1x1x128x128xf32, #tpu.memory_space<hbm>>
    %dma_wait3A_447 = tpu.memref_squeeze %dma_wait3A_446 : memref<1x1x128x128xf32, #tpu.memory_space<hbm>> -> memref<128x128xf32, #tpu.memory_space<hbm>>
    tpu.wait_dma2 semaphore(%arg16 : memref<!tpu.dma_semaphore, #tpu.memory_space<semaphore_mem>>) src(%arg10 : memref<128x128xf32, #tpu.memory_space<vmem>>) dst(%dma_wait3A_447 : memref<128x128xf32, #tpu.memory_space<hbm>>)
    return
  }
}

</mosaic_0001>

<sc_bundles>
// kernel: kernel.3.cloned.1.call-start
scs
__scs_entry_jumppad:
0x0: {  	(pc) =	sbr.rel $0x88, $3  }
0x1: {  	(tag) =	ssettag $0x0;
	lr =	simm.s32 $0x1  }
0x2: {  	[smem:$0x3F9F] =	sst lr;
	_ =	strace $0xD0000000  }
0x3: {  	_ = 	snop  }
0x4: {  	_ = 	snop  }
0x5: {  	_ = 	snop  }
0x6: {  	_ = 	snop  }
0x7: {  	_ = 	snop  }
__scs_overlays_trampoline_lowered:
0x8: {  	[smem:$0x3FAE] =	sst s0  }
0x9: {  	[smem:$0x3FAF] =	sst s1  }
0xa: {  	[smem:$0x3FB0] =	sst s2  }
0xb: {  	[smem:$0x3FB1] =	sst s3  }
0xc: {  	[smem:$0x3FB2] =	sst s4  }
0xd: {  	[smem:$0x3FB3] =	sst s5  }
0xe: {  	[smem:$0x3FB4] =	sst s6  }
0xf: {  	[smem:$0x3FB5] =	sst s7  }
0x10: {  	[smem:$0x3FB6] =	sst s8  }
0x11: {  	[smem:$0x3FB7] =	sst s9;
	s0 =	simm.s32 @!p0 $0x0  }
0x12: {  	s1 =	sld [smem:$0x3F9D];
	s0 =	simm.s32 @p0 $0x1  }
0x13: {  	[smem:$0x3FB8] =	sst s0;
	s0 =	simm.s32 @!p1 $0x0  }
0x14: {  	s2 =	sld [smem:$0x3F9C];
	s0 =	simm.s32 @p1 $0x1  }
0x15: {  	[smem:$0x3FB9] =	sst s0;
	s0 =	simm.s32 @!p2 $0x0  }
0x16: {  	s3 =	sld [smem:$0x3FDB];
	s0 =	simm.s32 @p2 $0x1  }
0x17: {  	s4 =	simm.s32 $0x1BF5;
	[smem:$0x3FBB] =	sst s0  }
0x18: {  	s0 =	sld [smem:$0x3F9E];
	_ =	swait.ge [sflag:s4], $0x0  }
0x19: {  	s7 =	sld [smem:$0x3F9F]  }
0x1a: {  	s8 =	sadd.s32 $0xFFFFE003, lr  }
0x1b: {  	s9 =	sadd.s32 $0xFFFFFEF7, lr;
	s5 =	simm.s32 $0xFFFFFFFF;
	p2 =	slt.u32 s8, $0xFFFFF086  }
0x1c: {  	p1 =	slt.u32 s9, $0xF7A;
	s5 =	simm.s32 @!p2 $0x0  }
0x1d: {  	s5 =	simm.s32 @p1 $0x1;
	p0 =	seq.s32 s7, s2  }
0x1e: {  	s7 =	smul.u32 @!p0 $0xF7A, s2;
	p2 =	seq.s32 @!p0 s5, $0x0  }
0x1f: {  	s9 =	smul.u32 $0xF7A, s1;
	s8 =	simm.s32 @!p0 $0x1BF5;
	p2 =	por !p2, p0  }
0x20: {  	[sflag:s8] =	ssyncset.s32 @!p0 $0xFFFFF086;
	s6 =	sadd.s32 @!p0 s3, s7;
	s7 =	simm.s32 @!p0 $0x108  }
0x21: {  	s3 =	sadd.s32 s3, s9;
	s6 =	sadd.s32 @!p0 $0x88, s6;
	s7 =	simm.s32 @p2 $0x1082  }
0x22: {  	[simem:s7], [sflag:s8] =	dma.local @!p0 [hbm:s6], $0xF7A  }
0x23: {  	s9 =	sor.u32 $0xD0000000, s2;
	s6 =	simm.s32 $0x108;
	_ =	swait.ge @!p0 [sflag:s8], $0x0  }
0x24: {  	s3 =	sadd.s32 $0x88, s3;
	s6 =	simm.s32 @!p1 $0x1082;
	[sflag:s4] =	ssyncset.s32 $0xFFFFF086  }
0x25: {  	[simem:s6], [sflag:s4] =	dma.local [hbm:s3], $0xF7A  }
0x26: {  	[smem:$0x3F9F] =	sst s1;
	(tag) =	ssettag s2;
	_ =	strace s9  }
0x27: {  	s1 =	sld [smem:$0x3FAF]  }
0x28: {  	s2 =	sld [smem:$0x3FB0]  }
0x29: {  	s4 =	sld [smem:$0x3FB2]  }
0x2a: {  	p0 =	seq.s32 s5, $0x0;
	s5 =	sld [smem:$0x3FB3]  }
0x2b: {  	s6 =	sld [smem:$0x3FB4]  }
0x2c: {  	s7 =	sld [smem:$0x3FB5]  }
0x2d: {  	s3 =	simm.s32 $0x108;
	s8 =	sld [smem:$0x3FB6]  }
0x2e: {  	s3 =	simm.s32 @!p0 $0x1082;
	s9 =	sld [smem:$0x3FB7]  }
0x2f: {  	lr =	sadd.s32 s0, s3;
	s0 =	sld [smem:$0x3FAE]  }
0x30: {  	s3 =	sld [smem:$0x3FB1]  }
0x31: {  	[smem:$0x3FBA] =	sst s10  }
0x32: {  	s10 =	sld [smem:$0x3FB8];
	_ =	sdelay $0x3  }
0x33: {  	p0 =	seq.s32 s10, $0x1;
	s10 =	sld [smem:$0x3FBA];
	_ =	sdelay $0x3  }
0x34: {  	[smem:$0x3FBA] =	sst s10  }
0x35: {  	s10 =	sld [smem:$0x3FB9];
	_ =	sdelay $0x3  }
0x36: {  	p1 =	seq.s32 s10, $0x1;
	s10 =	sld [smem:$0x3FBA];
	_ =	sdelay $0x3  }
0x37: {  	[smem:$0x3FBA] =	sst s10  }
0x38: {  	s10 =	sld [smem:$0x3FBB]  }
0x39: {  	_ = 	snop;
	(pc) =	sbr.ind lr, $3  }
0x3a: {  	_ = 	snop  }
0x3b: {  	_ = 	snop  }
0x3c: {  	p2 =	seq.s32 s10, $0x1;
	s10 =	sld [smem:$0x3FBA]  }
0x3d: {  	_ =	shalt  }
0x3e: {  	_ =	shalt  }
0x3f: {  	_ =	shalt  }
0x40: {  	_ =	shalt  }
0x41: {  	_ =	shalt  }
0x42: {  	_ =	shalt  }
0x43: {  	_ =	shalt  }
0x44: {  	_ =	shalt  }
0x45: {  	_ =	shalt  }
0x46: {  	_ =	shalt  }
0x47: {  	_ =	shalt  }
0x48: {  	_ =	shalt  }
0x49: {  	_ =	shalt  }
0x4a: {  	_ =	shalt  }
0x4b: {  	_ =	shalt  }
0x4c: {  	_ =	shalt  }
0x4d: {  	_ =	shalt  }
0x4e: {  	_ =	shalt  }
0x4f: {  	_ =	shalt  }
0x50: {  	_ =	shalt  }
0x51: {  	_ =	shalt  }
0x52: {  	_ =	shalt  }
0x53: {  	_ =	shalt  }
0x54: {  	_ =	shalt  }
0x55: {  	_ =	shalt  }
0x56: {  	_ =	shalt  }
0x57: {  	_ =	shalt  }
0x58: {  	_ =	shalt  }
0x59: {  	_ =	shalt  }
0x5a: {  	_ =	shalt  }
0x5b: {  	_ =	shalt  }
0x5c: {  	_ =	shalt  }
0x5d: {  	_ =	shalt  }
0x5e: {  	_ =	shalt  }
0x5f: {  	_ =	shalt  }
0x60: {  	_ =	shalt  }
0x61: {  	_ =	shalt  }
0x62: {  	_ =	shalt  }
0x63: {  	_ =	shalt  }
0x64: {  	_ =	shalt  }
0x65: {  	_ =	shalt  }
0x66: {  	_ =	shalt  }
0x67: {  	_ =	shalt  }
0x68: {  	_ =	shalt  }
0x69: {  	_ =	shalt  }
0x6a: {  	_ =	shalt  }
0x6b: {  	_ =	shalt  }
0x6c: {  	_ =	shalt  }
0x6d: {  	_ =	shalt  }
0x6e: {  	_ =	shalt  }
0x6f: {  	_ =	shalt  }
0x70: {  	_ =	shalt  }
0x71: {  	_ =	shalt  }
0x72: {  	_ =	shalt  }
0x73: {  	_ =	shalt  }
0x74: {  	_ =	shalt  }
0x75: {  	_ =	shalt  }
0x76: {  	_ =	shalt  }
0x77: {  	_ =	shalt  }
0x78: {  	_ =	shalt  }
0x79: {  	_ =	shalt  }
0x7a: {  	_ =	shalt  }
0x7b: {  	_ =	shalt  }
0x7c: {  	_ =	shalt  }
0x7d: {  	_ =	shalt  }
0x7e: {  	_ =	shalt  }
0x7f: {  	_ =	shalt  }
0x80: {  	_ =	shalt  }
0x81: {  	_ =	shalt  }
0x82: {  	_ =	shalt  }
0x83: {  	_ =	shalt  }
0x84: {  	_ =	shalt  }
0x85: {  	_ =	shalt  }
0x86: {  	_ =	shalt  }
0x87: {  	_ =	shalt  }
.Lfunc_end0:
.L_simem_size_0:
called_computation_lowered:
.L_overlay_start_0:
0x88: {  	s2 =	sld [smem:$0x3FD9]  }
0x89: {  	s3 =	sld [smem:$0x3FFE];
	_ =	sdelay $0x1  }
0x8a: {  	s1 =	srdreg.scid  }
0x8b: {  	s0 =	sand.u32 $0x1, s1  }
0x8c: {  	s17 =	sshll.u32 s0, $0xA;
	s2 =	sadd.s32 s3, s2  }
0x8d: {  	s2 =	sadd.s32 s2, s17  }
0x8e: {  	[smem:$0x3FC6] =	sst s2  }
0x8f: {  	_ = 	snop  }
0x90: {  	s2 =	sld [smem:$0x3FC8]  }
0x91: {  	s18 =	sld [smem:$0x3FD0];
	(tm) =	ssettm $0x1  }
0x92: {  	s4 =	sld [smem:$0x3FFB];
	_ =	sdelay $0x3  }
0x93: {  	_ =	strace s4  }
0x94: {  	s4 =	sld [smem:$0x3FFC];
	_ =	sdelay $0x3  }
0x95: {  	_ =	strace s4  }
0x96: {  	s4 =	sld [smem:$0x3FFD];
	_ =	sdelay $0x3  }
0x97: {  	_ =	strace s4  }
0x98: {  	_ =	strace $0x8FFFFFFF  }
0x99: {  	s19 =	sld [smem:$0x3FDB];
	_ =	sdelay $0x1  }
0x9a: {  	s5 =	simm.s32 $_scs_section_size  }
0x9b: {  	s6 =	simm.s32 $_size__tile_overlayer_lowered;
	s7 =	simm.s32 $_tile_overlayer_lowered  }
0x9c: {  	s22 =	simm.s32 $0x1BFF;
	s21 =	sshll.u32 s7, $0x1;
	s4 =	sadd.s32 s5, s19  }
0x9d: {  	s8 =	simm.s32 $0x0;
	s20 =	sshll.u32 s6, $0x1;
	s6 =	sadd.s32 s21, s4  }
0x9e: {  	[timem:s8], [sflag:s22] =	dma.local [hbm:s6], s20  }
0x9f: {  	_ =	swait.ge [sflag:s22], s20  }
0xa0: {  	s5 =	ssub.s32 $0x0, s20;
	[sflag:s22] =	ssyncset.done $0x0  }
0xa1: {  	[sflag:s22] =	ssyncadd.s32 s5;
	_ =	sdelay $0x1  }
0xa2: {  	s23 =	simm.s32 $0x1B8B  }
0xa3: {  	_ =	swait.ge [sflag:s23], $0x1  }
0xa4: {  	[sflag:s23] =	ssyncset.done $0x0  }
0xa5: {  	s25 =	simm.s32 $0x1B8E;
	s24 =	sld [smem:$0x3FFE];
	[sflag:s23] =	ssyncadd.s32 $0xFFFFFFFF  }
0xa6: {  	s26 =	simm.s32 $execute0_lowered;
	[smem:$0x3FD2] =	sst s25  }
0xa7: {  	s6 =	sshll.u32 s26, $0x1;
	_ =	strace $0x80000046;
	[dreg:$0x1] =	wrdreg $0xFFFFFFFF  }
0xa8: {  	s28 =	simm.s32 $_size_execute0_lowered;
	s4 =	sadd.s32 s4, s6;
	[dreg:$0x0] =	wrdreg $0x0  }
0xa9: {  	s6 =	sshll.u32 s28, $0x1;
	[dreg:$0x2] =	wrdreg s4  }
0xaa: {  	[dreg:$0x3] =	wrdreg s6  }
0xab: {  	[dreg:$0x4] =	wrdreg $0xC0  }
0xac: {  	_ =	task [dreg:s8], $0x5FFFF  }
0xad: {  	[dreg:$0x1] =	wrdreg $0xFFFFFFFF  }
0xae: {  	[dreg:$0x0] =	wrdreg $0x60  }
0xaf: {  	[dreg:$0x2] =	wrdreg s2  }
0xb0: {  	[dreg:$0x3] =	wrdreg s24  }
0xb1: {  	[dreg:$0x4] =	wrdreg s18  }
0xb2: {  	[dreg:$0x5] =	wrdreg $0x0  }
0xb3: {  	[dreg:$0x6] =	wrdreg $0x9  }
0xb4: {  	_ =	task.clear_ibuf [dreg:s8], $0x7FFFF;
	_ =	strace $0x90000046  }
0xb5: {  	s29 =	simm.s32 $0x9;
	_ =	strace $0x80000048  }
0xb6: {  	_ =	swait.ge [sflag:s29], $0x1  }
0xb7: {  	[sflag:s29] =	ssyncadd.s32 $0xFFFFFFFF  }
0xb8: {  	_ =	strace $0x90000048  }
0xb9: {  	_ =	sfence  }
0xba: {  	s30 =	sld [smem:$0x0];
	_ =	sdelay $0x2  }
0xbb: {  	s31 =	sshll.u32 s1, $0xD;
	s1 =	sshrl.u32 s1, $0x2  }
0xbc: {  	s3 =	sand.u32 $0x4000, s31;
	s1 =	sadd.s32 s1, s30  }
0xbd: {  	s0 =	sor.u32 s3, s0;
	s1 =	sshll.u32 s1, $0x11  }
0xbe: {  	s0 =	sor.u32 s1, s0  }
0xbf: {  	s0 =	sadd.s32 $0x8F2B, s0  }
0xc0: {  	[sflag:s0] =	ssyncadd.remote.s32 $0x1  }
0xc1: {  	_ =	sfence.sel $0xFFFF  }
0xc2: {  	[dreg:$0x0] =	wrdreg $0xFFFFFFFF;
	(pc) =	sbr.abs _section_cstart, $3  }
0xc3: {  	[dreg:$0x1] =	wrdreg $0xFFFFFFFF  }
0xc4: {  	_ =	task.clear_ibuf [dreg:s8], $0x2FFFF;
	_ =	strace $0x9FFFFFFF  }
0xc5: {  	(tm) =	ssettm $0x7FFFFFFF  }
tec
execute0_lowered:
.L_overlay_start_1:
0x0: {  	(tag) =	ssettag $0x1  }
0x1: {  	s1 =	rddreg [dreg:$0x1];
	s2 =	srdreg.scid  }
0x2: {  	s0 =	stileid.u32;
	s4 =	rddreg [dreg:$0x2]  }
0x3: {  	s28 =	simm.s32 $0x3;
	s29 =	simm.s32 $0x4;
	s30 =	simm.s32 $0x5  }
0x4: {  	s5 =	sand.u32 $0x1, s2;
	s3 =	sshll.u32 s0, $0x1;
	s8 =	smul.u32 $0x640000, s0  }
0x5: {  	s6 =	sor.u32 s5, s3;
	s24 =	ssub.s32 $0x2, s5;
	s5 =	smul.u32 $0x320000, s5  }
0x6: {  	s2 =	rddreg [dreg:$0x3];
	s3 =	simm.s32 $0x0;
	s7 =	smul.u32 $0x6400, s6  }
0x7: {  	p0 =	sne.s32 s0, $0x0;
	[smem:$0x7FF] =	sst s3;
	s6 =	smul.u32 $0x320000, s6  }
0x8: {  	s9 =	sshrl.u32 s24, $0x1;
	_ =	strace $0x80000047;
	s5 =	sadd.s32 s5, s8  }
0x9: {  	s7 =	sshrl.u32 s7, $0x3;
	s6 =	sshrl.u32 s6, $0x3;
	s10 =	sor.u32 $0xC000, s5  }
0xa: {  	s11 =	sor.u32 $0x10000, s5;
	s14 =	sadd.s32 $0xC8000, s5;
	s15 =	sadd.s32 $0xC4000, s5  }
0xb: {  	s16 =	sadd.s32 $0xC0000, s5;
	s19 =	sadd.s32 $0x188000, s5;
	s20 =	sadd.s32 $0x184000, s5  }
0xc: {  	s21 =	sadd.s32 $0x180000, s5;
	s1 =	sadd.s32 s7, s1;
	s7 =	ssub.s32 s24, s9  }
0xd: {  	s22 =	sadd.s32 s4, s6;
	s6 =	sshrl.u32 s10, $0x3;
	s13 =	sshrl.u32 s11, $0x3  }
0xe: {  	s17 =	sshrl.u32 s15, $0x3;
	s18 =	sshrl.u32 s16, $0x3;
	s23 =	sshrl.u32 s20, $0x3  }
0xf: {  	s24 =	sshrl.u32 s21, $0x3;
	s25 =	sadd.s32 $0x400, s1;
	s26 =	sadd.s32 $0x700, s1  }
0x10: {  	s31 =	sadd.s32 $0x800, s22;
	s8 =	sadd.s32 $0x1000, s22;
	[dreg:$0x6] =	wrdreg s22  }
0x11: {  	s9 =	sadd.s32 $0xA00, s1;
	s10 =	sadd.s32 s6, s4;
	[dreg:$0x5] =	wrdreg s25  }
0x12: {  	s6 =	sshrl.u32 s14, $0x3;
	s14 =	sadd.s32 s17, s4;
	[dreg:$0x7] =	wrdreg s26  }
0x13: {  	s15 =	sadd.s32 s18, s4;
	s17 =	sadd.s32 s23, s4;
	[dreg:$0x8] =	wrdreg s31  }
0x14: {  	s18 =	sadd.s32 s24, s4;
	s7 =	smax.u32 s7, $0x1;
	[dreg:$0x9] =	wrdreg s8  }
0x15: {  	s23 =	sadd.s32 $0x61800, s22;
	s24 =	sadd.s32 $0x62000, s22;
	[dreg:$0xa] =	wrdreg s9  }
0x16: {  	s8 =	sor.u32 $0x14000, s5;
	s25 =	sadd.s32 $0x248000, s5;
	[dreg:$0xe] =	wrdreg s7  }
0x17: {  	s26 =	sadd.s32 $0x244000, s5;
	s5 =	sadd.s32 $0x240000, s5;
	[dreg:$0x11] =	wrdreg s23  }
0x18: {  	s9 =	sadd.s32 $0x61000, s22;
	[dreg:$0x12] =	wrdreg s24;
	s23 =	simm.s32 $0x17000  }
0x19: {  	s7 =	simm.s32 $0x2;
	s24 =	simm.s32 $0x10180;
	s12 =	sshrl.u32 s8, $0x3  }
0x1a: {  	s31 =	sshrl.u32 s26, $0x3;
	s5 =	sshrl.u32 s5, $0x3;
	s8 =	sadd.s32 $0x60800, s22  }
0x1b: {  	[dreg:$0x10] =	wrdreg s9;
	s26 =	sadd.s32 $0x63000, s22;
	s9 =	simm.s32 $0x13000  }
0x1c: {  	s11 =	sadd.s32 s12, s4;
	s12 =	sadd.s32 s13, s4;
	s13 =	sadd.s32 s6, s4  }
0x1d: {  	s6 =	sshrl.u32 s19, $0x3;
	s20 =	sadd.s32 s31, s4;
	s21 =	sadd.s32 s5, s4  }
0x1e: {  	s5 =	sadd.s32 $0xD00, s1;
	s1 =	sadd.s32 $0x1000, s1;
	[dreg:$0xf] =	wrdreg s8  }
0x1f: {  	[dreg:$0x14] =	wrdreg s26;
	s31 =	sadd.s32 $0x63800, s22;
	s8 =	simm.s32 $0x80  }
0x20: {  	s26 =	simm.s32 $0x1;
	s16 =	sadd.s32 s6, s4;
	[dreg:$0xb] =	wrdreg s5  }
0x21: {  	s6 =	sshrl.u32 s25, $0x3;
	[dreg:$0xc] =	wrdreg s1;
	s25 =	sadd.s32 $0x62800, s22  }
0x22: {  	[dreg:$0x15] =	wrdreg s31;
	s1 =	simm.s32 $0x0;
	s19 =	sadd.s32 s6, s4  }
0x23: {  	s6 =	sadd.s32 $0x60000, s22;
	[dreg:$0x13] =	wrdreg s25;
	s25 =	simm.s32 $0x1B000  }
0x24: {  	s22 =	simm.s32 $0x6;
	[dreg:$0xd] =	wrdreg s6;
	s6 =	simm.s32 $0x10080  }
.LBB2_1:
0x25: {  	[dreg:$0x16] =	wrdreg s1  }
0x26: {  	s0 =	sshrl.u32 @!p0 s2, $0x3;
	s1 =	simm.s32 @!p0 $0x1C08;
	s5 =	rddreg [dreg:$0x0]  }
0x27: {  	[spmem:s0], [sflag:s1] =	dma.local @!p0 [hbm:s5], $0x20000  }
0x28: {  	s0 =	simm.s32 @!p0 $0x8  }
0x29: {  	_ =	swait.ge @!p0 [sflag:s0], $0x20000  }
0x2a: {  	s31 =	simm.s32 $0x10000;
	[sflag:s0] =	ssyncset.done @!p0 $0x0  }
0x2b: {  	s5 =	simm.s32 $0x8;
	s1 =	rddreg [dreg:$0x5];
	[sflag:s0] =	ssyncadd.s32 @!p0 $0xFFFE0000  }
0x2c: {  	[tilespmem:s31], [sflag:$0x8] =	stream.linear.gather [hbm4b:s1+s3], $0x1800, $0x38;
	[tilespmem:$0x1F000] =	vst v63  }
0x2d: {  	_ =	swait.ge [sflag:s5], $0x1800  }
0x2e: {  	[sflag:s5] =	ssyncset.done $0x0  }
0x2f: {  	[sflag:s5] =	ssyncadd.s32 $0xFFFFE800  }
0x30: {  	[bflag:$0x0] =	sbarrier.arrive $0xFFFF  }
0x31: {  	s5 =	simm.s32 $0x11800;
	s1 =	rddreg [dreg:$0x7]  }
0x32: {  	[tilespmem:s5], [sflag:$0x7] =	stream.linear.gather [hbm4b:s1+s3], $0x1800, $0x38;
	[tilespmem:$0x1F000] =	vst v63  }
0x33: {  	_ = 	snop  }
0x34: {  	[tilespmem:s9], [sflag:$0x1] =	stream.indirect.gather [spmem:s2], $0x80, s31, s8, $0xb8;
	[tilespmem:$0x1F000] =	vst v63  }
0x35: {  	_ = 	snop  }
0x36: {  	[tilespmem:s23], [sflag:$0x2] =	stream.indirect.gather [spmem:s2], $0x80, s6, s8, $0xb8;
	[tilespmem:$0x1F000] =	vst v63  }
0x37: {  	s4 =	simm.s32 $0x10100  }
0x38: {  	[tilespmem:s25], [sflag:$0x3] =	stream.indirect.gather [spmem:s2], $0x80, s4, s8, $0xb8;
	[tilespmem:$0x1F000] =	vst v63  }
0x39: {  	_ =	swait.ge [sflag:s26], $0x4000  }
0x3a: {  	[sflag:s26] =	ssyncset.done $0x0  }
0x3b: {  	s6 =	rddreg [dreg:$0x6];
	[sflag:s26] =	ssyncadd.s32 $0xFFFFC000  }
0x3c: {  	[hbm4b:s6+s3] =	stream.linear.scatter [tilespmem:s9], [sflag:$0x4], $0x4000, $0x38;
	[tilespmem:$0x1F000] =	vst v63  }
0x3d: {  	_ =	swait.ge [sflag:s7], $0x4000  }
0x3e: {  	[sflag:s7] =	ssyncset.done $0x0  }
0x3f: {  	s31 =	rddreg [dreg:$0x8];
	[sflag:s7] =	ssyncadd.s32 $0xFFFFC000  }
0x40: {  	[hbm4b:s31+s3] =	stream.linear.scatter [tilespmem:s23], [sflag:$0x5], $0x4000, $0x38;
	[tilespmem:$0x1F000] =	vst v63  }
0x41: {  	_ =	swait.ge [sflag:s28], $0x4000  }
0x42: {  	[sflag:s28] =	ssyncset.done $0x0  }
0x43: {  	s1 =	rddreg [dreg:$0x9];
	[sflag:s28] =	ssyncadd.s32 $0xFFFFC000  }
0x44: {  	[hbm4b:s1+s3] =	stream.linear.scatter [tilespmem:s25], [sflag:$0x6], $0x4000, $0x38;
	[tilespmem:$0x1F000] =	vst v63  }
0x45: {  	_ =	swait.ge [sflag:s29], $0x4000  }
0x46: {  	[sflag:s29] =	ssyncset.done $0x0  }
0x47: {  	[sflag:s29] =	ssyncadd.s32 $0xFFFFC000  }
0x48: {  	[tilespmem:s9], [sflag:$0x1] =	stream.indirect.gather [spmem:s2], $0x80, s24, s8, $0xb8;
	[tilespmem:$0x1F000] =	vst v63  }
0x49: {  	_ =	swait.ge [sflag:s30], $0x4000  }
0x4a: {  	[sflag:s30] =	ssyncset.done $0x0  }
0x4b: {  	s4 =	simm.s32 $0x10200;
	[sflag:s30] =	ssyncadd.s32 $0xFFFFC000  }
0x4c: {  	[tilespmem:s23], [sflag:$0x2] =	stream.indirect.gather [spmem:s2], $0x80, s4, s8, $0xb8;
	[tilespmem:$0x1F000] =	vst v63  }
0x4d: {  	_ =	swait.ge [sflag:s22], $0x4000  }
0x4e: {  	[sflag:s22] =	ssyncset.done $0x0  }
0x4f: {  	s5 =	simm.s32 $0x10280;
	[sflag:s22] =	ssyncadd.s32 $0xFFFFC000  }
0x50: {  	[tilespmem:s25], [sflag:$0x3] =	stream.indirect.gather [spmem:s2], $0x80, s5, s8, $0xb8;
	[tilespmem:$0x1F000] =	vst v63  }
0x51: {  	_ =	swait.ge [sflag:s26], $0x4000  }
0x52: {  	[sflag:s26] =	ssyncset.done $0x0  }
0x53: {  	s6 =	sadd.s32 $0x0, s10;
	[sflag:s26] =	ssyncadd.s32 $0xFFFFC000  }
0x54: {  	[hbm4b:s6+s3] =	stream.linear.scatter [tilespmem:s9], [sflag:$0x4], $0x4000, $0x38;
	[tilespmem:$0x1F000] =	vst v63  }
0x55: {  	_ =	swait.ge [sflag:s7], $0x4000  }
0x56: {  	[sflag:s7] =	ssyncset.done $0x0  }
0x57: {  	s31 =	sadd.s32 $0x0, s12;
	[sflag:s7] =	ssyncadd.s32 $0xFFFFC000  }
0x58: {  	[hbm4b:s31+s3] =	stream.linear.scatter [tilespmem:s23], [sflag:$0x5], $0x4000, $0x38;
	[tilespmem:$0x1F000] =	vst v63  }
0x59: {  	_ =	swait.ge [sflag:s28], $0x4000  }
0x5a: {  	s0 =	simm.s32 $0x1800;
	[sflag:s28] =	ssyncset.done $0x0  }
0x5b: {  	s1 =	simm.s32 $0x10300;
	s5 =	sadd.s32 $0x0, s11;
	[sflag:s28] =	ssyncadd.s32 $0xFFFFC000  }
.LBB2_2:
0x5c: {  	[hbm4b:s5+s3] =	stream.linear.scatter [tilespmem:s25], [sflag:$0x6], $0x4000, $0x38;
	[tilespmem:$0x1F000] =	vst v63  }
0x5d: {  	s5 =	smov.u32 s0  }
0x5e: {  	p1 =	sne.s32 s0, $0x15000;
	s0 =	sadd.s32 $0x1800, s0;
	_ =	swait.ge [sflag:s29], $0x4000  }
0x5f: {  	[sflag:s29] =	ssyncset.done $0x0  }
0x60: {  	[sflag:s29] =	ssyncadd.s32 $0xFFFFC000  }
0x61: {  	[tilespmem:s9], [sflag:$0x1] =	stream.indirect.gather [spmem:s2], $0x80, s1, s8, $0xb8;
	[tilespmem:$0x1F000] =	vst v63  }
0x62: {  	_ =	swait.ge [sflag:s30], $0x4000  }
0x63: {  	[sflag:s30] =	ssyncset.done $0x0  }
0x64: {  	s6 =	sadd.s32 $0x80, s1;
	[sflag:s30] =	ssyncadd.s32 $0xFFFFC000  }
0x65: {  	[tilespmem:s23], [sflag:$0x2] =	stream.indirect.gather [spmem:s2], $0x80, s6, s8, $0xb8;
	[tilespmem:$0x1F000] =	vst v63  }
0x66: {  	_ =	swait.ge [sflag:s22], $0x4000  }
0x67: {  	[sflag:s22] =	ssyncset.done $0x0  }
0x68: {  	s6 =	sadd.s32 $0x100, s1;
	[sflag:s22] =	ssyncadd.s32 $0xFFFFC000  }
0x69: {  	[tilespmem:s25], [sflag:$0x3] =	stream.indirect.gather [spmem:s2], $0x80, s6, s8, $0xb8;
	[tilespmem:$0x1F000] =	vst v63  }
0x6a: {  	_ =	swait.ge [sflag:s26], $0x4000  }
0x6b: {  	[sflag:s26] =	ssyncset.done $0x0  }
0x6c: {  	s6 =	sadd.s32 s5, s10;
	[sflag:s26] =	ssyncadd.s32 $0xFFFFC000  }
0x6d: {  	[hbm4b:s6+s3] =	stream.linear.scatter [tilespmem:s9], [sflag:$0x4], $0x4000, $0x38;
	[tilespmem:$0x1F000] =	vst v63  }
0x6e: {  	_ =	swait.ge [sflag:s7], $0x4000  }
0x6f: {  	[sflag:s7] =	ssyncset.done $0x0  }
.Ltmp0:
0x70: {  	s6 =	sadd.s32 s5, s12;
	[sflag:s7] =	ssyncadd.s32 $0xFFFFC000;
	(pc) =	sbr.rel @p1 .LBB2_2-.Ltmp0, $4  }
0x71: {  	[hbm4b:s6+s3] =	stream.linear.scatter [tilespmem:s23], [sflag:$0x5], $0x4000, $0x38;
	[tilespmem:$0x1F000] =	vst v63  }
0x72: {  	_ =	swait.ge [sflag:s28], $0x4000  }
0x73: {  	[sflag:s28] =	ssyncset.done $0x0  }
0x74: {  	s1 =	sadd.s32 $0x180, s1;
	s5 =	sadd.s32 s5, s11;
	[sflag:s28] =	ssyncadd.s32 $0xFFFFC000  }
0x75: {  	[hbm4b:s5+s3] =	stream.linear.scatter [tilespmem:s25], [sflag:$0x6], $0x4000, $0x38;
	[tilespmem:$0x1F000] =	vst v63  }
0x76: {  	s0 =	simm.s32 $0x0  }
0x77: {  	s1 =	rddreg [dreg:$0xa];
	s4 =	simm.s32 $0x10000;
	s31 =	simm.s32 $0x7  }
0x78: {  	[tilespmem:s4], [sflag:$0x7] =	stream.linear.gather [hbm4b:s1+s0], $0x1800, $0x38;
	[tilespmem:$0x1F000] =	vst v63  }
0x79: {  	_ =	swait.ge [sflag:s31], $0x1800  }
0x7a: {  	[sflag:s31] =	ssyncset.done $0x0  }
0x7b: {  	[sflag:s31] =	ssyncadd.s32 $0xFFFFE800  }
0x7c: {  	_ =	swait.ge [sflag:s29], $0x4000  }
0x7d: {  	[sflag:s29] =	ssyncset.done $0x0  }
0x7e: {  	s5 =	simm.s32 $0x11800;
	[sflag:s29] =	ssyncadd.s32 $0xFFFFC000  }
0x7f: {  	[tilespmem:s9], [sflag:$0x1] =	stream.indirect.gather [spmem:s2], $0x80, s5, s8, $0xb8;
	[tilespmem:$0x1F000] =	vst v63  }
0x80: {  	_ =	swait.ge [sflag:s30], $0x4000  }
0x81: {  	[sflag:s30] =	ssyncset.done $0x0  }
0x82: {  	s6 =	simm.s32 $0x11880;
	[sflag:s30] =	ssyncadd.s32 $0xFFFFC000  }
0x83: {  	[tilespmem:s23], [sflag:$0x2] =	stream.indirect.gather [spmem:s2], $0x80, s6, s8, $0xb8;
	[tilespmem:$0x1F000] =	vst v63  }
0x84: {  	_ =	swait.ge [sflag:s22], $0x4000  }
0x85: {  	[sflag:s22] =	ssyncset.done $0x0  }
0x86: {  	s1 =	simm.s32 $0x11900;
	[sflag:s22] =	ssyncadd.s32 $0xFFFFC000  }
0x87: {  	[tilespmem:s25], [sflag:$0x3] =	stream.indirect.gather [spmem:s2], $0x80, s1, s8, $0xb8;
	[tilespmem:$0x1F000] =	vst v63  }
0x88: {  	_ =	swait.ge [sflag:s26], $0x4000  }
0x89: {  	[sflag:s26] =	ssyncset.done $0x0  }
0x8a: {  	s5 =	sadd.s32 $0x0, s15;
	[sflag:s26] =	ssyncadd.s32 $0xFFFFC000  }
0x8b: {  	[hbm4b:s5+s3] =	stream.linear.scatter [tilespmem:s9], [sflag:$0x4], $0x4000, $0x38;
	[tilespmem:$0x1F000] =	vst v63  }
0x8c: {  	_ =	swait.ge [sflag:s7], $0x4000  }
0x8d: {  	[sflag:s7] =	ssyncset.done $0x0  }
0x8e: {  	s6 =	sadd.s32 $0x0, s14;
	[sflag:s7] =	ssyncadd.s32 $0xFFFFC000  }
0x8f: {  	[hbm4b:s6+s3] =	stream.linear.scatter [tilespmem:s23], [sflag:$0x5], $0x4000, $0x38;
	[tilespmem:$0x1F000] =	vst v63  }
0x90: {  	_ =	swait.ge [sflag:s28], $0x4000  }
0x91: {  	s0 =	simm.s32 $0x1800;
	[sflag:s28] =	ssyncset.done $0x0  }
0x92: {  	s1 =	simm.s32 $0x11A80;
	s5 =	sadd.s32 $0x0, s13;
	[sflag:s28] =	ssyncadd.s32 $0xFFFFC000  }
.LBB2_4:
0x93: {  	[hbm4b:s5+s3] =	stream.linear.scatter [tilespmem:s25], [sflag:$0x6], $0x4000, $0x38;
	[tilespmem:$0x1F000] =	vst v63  }
0x94: {  	s5 =	smov.u32 s0  }
0x95: {  	p1 =	sne.s32 s0, $0x16800;
	s0 =	sadd.s32 $0x1800, s0;
	_ =	swait.ge [sflag:s29], $0x4000  }
0x96: {  	[sflag:s29] =	ssyncset.done $0x0  }
0x97: {  	s6 =	sadd.s32 $0xFFFFFF00, s1;
	[sflag:s29] =	ssyncadd.s32 $0xFFFFC000  }
0x98: {  	[tilespmem:s9], [sflag:$0x1] =	stream.indirect.gather [spmem:s2], $0x80, s6, s8, $0xb8;
	[tilespmem:$0x1F000] =	vst v63  }
0x99: {  	_ =	swait.ge [sflag:s30], $0x4000  }
0x9a: {  	[sflag:s30] =	ssyncset.done $0x0  }
0x9b: {  	s6 =	sadd.s32 $0xFFFFFF80, s1;
	[sflag:s30] =	ssyncadd.s32 $0xFFFFC000  }
0x9c: {  	[tilespmem:s23], [sflag:$0x2] =	stream.indirect.gather [spmem:s2], $0x80, s6, s8, $0xb8;
	[tilespmem:$0x1F000] =	vst v63  }
0x9d: {  	_ =	swait.ge [sflag:s22], $0x4000  }
0x9e: {  	[sflag:s22] =	ssyncset.done $0x0  }
0x9f: {  	[sflag:s22] =	ssyncadd.s32 $0xFFFFC000  }
0xa0: {  	[tilespmem:s25], [sflag:$0x3] =	stream.indirect.gather [spmem:s2], $0x80, s1, s8, $0xb8;
	[tilespmem:$0x1F000] =	vst v63  }
0xa1: {  	_ =	swait.ge [sflag:s26], $0x4000  }
0xa2: {  	[sflag:s26] =	ssyncset.done $0x0  }
0xa3: {  	s6 =	sadd.s32 s5, s15;
	[sflag:s26] =	ssyncadd.s32 $0xFFFFC000  }
0xa4: {  	[hbm4b:s6+s3] =	stream.linear.scatter [tilespmem:s9], [sflag:$0x4], $0x4000, $0x38;
	[tilespmem:$0x1F000] =	vst v63  }
0xa5: {  	_ =	swait.ge [sflag:s7], $0x4000  }
0xa6: {  	[sflag:s7] =	ssyncset.done $0x0  }
.Ltmp1:
0xa7: {  	s6 =	sadd.s32 s5, s14;
	[sflag:s7] =	ssyncadd.s32 $0xFFFFC000;
	(pc) =	sbr.rel @p1 .LBB2_4-.Ltmp1, $4  }
0xa8: {  	[hbm4b:s6+s3] =	stream.linear.scatter [tilespmem:s23], [sflag:$0x5], $0x4000, $0x38;
	[tilespmem:$0x1F000] =	vst v63  }
0xa9: {  	_ =	swait.ge [sflag:s28], $0x4000  }
0xaa: {  	[sflag:s28] =	ssyncset.done $0x0  }
0xab: {  	s1 =	sadd.s32 $0x180, s1;
	s5 =	sadd.s32 s5, s13;
	[sflag:s28] =	ssyncadd.s32 $0xFFFFC000  }
0xac: {  	[hbm4b:s5+s3] =	stream.linear.scatter [tilespmem:s25], [sflag:$0x6], $0x4000, $0x38;
	[tilespmem:$0x1F000] =	vst v63  }
0xad: {  	s0 =	simm.s32 $0x0;
	s1 =	rddreg [dreg:$0xb];
	s6 =	simm.s32 $0x11800  }
0xae: {  	[tilespmem:s6], [sflag:$0x7] =	stream.linear.gather [hbm4b:s1+s0], $0x1800, $0x38;
	[tilespmem:$0x1F000] =	vst v63  }
0xaf: {  	_ =	swait.ge [sflag:s31], $0x1800  }
0xb0: {  	[sflag:s31] =	ssyncset.done $0x0  }
0xb1: {  	[sflag:s31] =	ssyncadd.s32 $0xFFFFE800  }
0xb2: {  	_ =	swait.ge [sflag:s29], $0x4000  }
0xb3: {  	[sflag:s29] =	ssyncset.done $0x0  }
0xb4: {  	s5 =	simm.s32 $0x10000;
	[sflag:s29] =	ssyncadd.s32 $0xFFFFC000  }
0xb5: {  	[tilespmem:s9], [sflag:$0x1] =	stream.indirect.gather [spmem:s2], $0x80, s5, s8, $0xb8;
	[tilespmem:$0x1F000] =	vst v63  }
0xb6: {  	_ =	swait.ge [sflag:s30], $0x4000  }
0xb7: {  	[sflag:s30] =	ssyncset.done $0x0  }
0xb8: {  	s6 =	simm.s32 $0x10080;
	[sflag:s30] =	ssyncadd.s32 $0xFFFFC000  }
0xb9: {  	[tilespmem:s23], [sflag:$0x2] =	stream.indirect.gather [spmem:s2], $0x80, s6, s8, $0xb8;
	[tilespmem:$0x1F000] =	vst v63  }
0xba: {  	_ =	swait.ge [sflag:s22], $0x4000  }
0xbb: {  	[sflag:s22] =	ssyncset.done $0x0  }
0xbc: {  	s1 =	simm.s32 $0x10100;
	[sflag:s22] =	ssyncadd.s32 $0xFFFFC000  }
0xbd: {  	[tilespmem:s25], [sflag:$0x3] =	stream.indirect.gather [spmem:s2], $0x80, s1, s8, $0xb8;
	[tilespmem:$0x1F000] =	vst v63  }
0xbe: {  	_ =	swait.ge [sflag:s26], $0x4000  }
0xbf: {  	[sflag:s26] =	ssyncset.done $0x0  }
0xc0: {  	s5 =	sadd.s32 $0x0, s18;
	[sflag:s26] =	ssyncadd.s32 $0xFFFFC000  }
0xc1: {  	[hbm4b:s5+s3] =	stream.linear.scatter [tilespmem:s9], [sflag:$0x4], $0x4000, $0x38;
	[tilespmem:$0x1F000] =	vst v63  }
0xc2: {  	_ =	swait.ge [sflag:s7], $0x4000  }
0xc3: {  	[sflag:s7] =	ssyncset.done $0x0  }
0xc4: {  	s6 =	sadd.s32 $0x0, s17;
	[sflag:s7] =	ssyncadd.s32 $0xFFFFC000  }
0xc5: {  	[hbm4b:s6+s3] =	stream.linear.scatter [tilespmem:s23], [sflag:$0x5], $0x4000, $0x38;
	[tilespmem:$0x1F000] =	vst v63  }
0xc6: {  	_ =	swait.ge [sflag:s28], $0x4000  }
0xc7: {  	s0 =	simm.s32 $0x1800;
	[sflag:s28] =	ssyncset.done $0x0  }
0xc8: {  	s1 =	simm.s32 $0x10280;
	s5 =	sadd.s32 $0x0, s16;
	[sflag:s28] =	ssyncadd.s32 $0xFFFFC000  }
.LBB2_6:
0xc9: {  	[hbm4b:s5+s3] =	stream.linear.scatter [tilespmem:s25], [sflag:$0x6], $0x4000, $0x38;
	[tilespmem:$0x1F000] =	vst v63  }
0xca: {  	s5 =	smov.u32 s0  }
0xcb: {  	p1 =	sne.s32 s0, $0x16800;
	s0 =	sadd.s32 $0x1800, s0;
	_ =	swait.ge [sflag:s29], $0x4000  }
0xcc: {  	[sflag:s29] =	ssyncset.done $0x0  }
0xcd: {  	s6 =	sadd.s32 $0xFFFFFF00, s1;
	[sflag:s29] =	ssyncadd.s32 $0xFFFFC000  }
0xce: {  	[tilespmem:s9], [sflag:$0x1] =	stream.indirect.gather [spmem:s2], $0x80, s6, s8, $0xb8;
	[tilespmem:$0x1F000] =	vst v63  }
0xcf: {  	_ =	swait.ge [sflag:s30], $0x4000  }
0xd0: {  	[sflag:s30] =	ssyncset.done $0x0  }
0xd1: {  	s6 =	sadd.s32 $0xFFFFFF80, s1;
	[sflag:s30] =	ssyncadd.s32 $0xFFFFC000  }
0xd2: {  	[tilespmem:s23], [sflag:$0x2] =	stream.indirect.gather [spmem:s2], $0x80, s6, s8, $0xb8;
	[tilespmem:$0x1F000] =	vst v63  }
0xd3: {  	_ =	swait.ge [sflag:s22], $0x4000  }
0xd4: {  	[sflag:s22] =	ssyncset.done $0x0  }
0xd5: {  	[sflag:s22] =	ssyncadd.s32 $0xFFFFC000  }
0xd6: {  	[tilespmem:s25], [sflag:$0x3] =	stream.indirect.gather [spmem:s2], $0x80, s1, s8, $0xb8;
	[tilespmem:$0x1F000] =	vst v63  }
0xd7: {  	_ =	swait.ge [sflag:s26], $0x4000  }
0xd8: {  	[sflag:s26] =	ssyncset.done $0x0  }
0xd9: {  	s6 =	sadd.s32 s5, s18;
	[sflag:s26] =	ssyncadd.s32 $0xFFFFC000  }
0xda: {  	[hbm4b:s6+s3] =	stream.linear.scatter [tilespmem:s9], [sflag:$0x4], $0x4000, $0x38;
	[tilespmem:$0x1F000] =	vst v63  }
0xdb: {  	_ =	swait.ge [sflag:s7], $0x4000  }
0xdc: {  	[sflag:s7] =	ssyncset.done $0x0  }
.Ltmp2:
0xdd: {  	s6 =	sadd.s32 s5, s17;
	[sflag:s7] =	ssyncadd.s32 $0xFFFFC000;
	(pc) =	sbr.rel @p1 .LBB2_6-.Ltmp2, $4  }
0xde: {  	[hbm4b:s6+s3] =	stream.linear.scatter [tilespmem:s23], [sflag:$0x5], $0x4000, $0x38;
	[tilespmem:$0x1F000] =	vst v63  }
0xdf: {  	_ =	swait.ge [sflag:s28], $0x4000  }
0xe0: {  	[sflag:s28] =	ssyncset.done $0x0  }
0xe1: {  	s1 =	sadd.s32 $0x180, s1;
	s5 =	sadd.s32 s5, s16;
	[sflag:s28] =	ssyncadd.s32 $0xFFFFC000  }
0xe2: {  	[hbm4b:s5+s3] =	stream.linear.scatter [tilespmem:s25], [sflag:$0x6], $0x4000, $0x38;
	[tilespmem:$0x1F000] =	vst v63  }
0xe3: {  	s0 =	simm.s32 $0x0;
	s1 =	rddreg [dreg:$0xc]  }
0xe4: {  	[tilespmem:s4], [sflag:$0x7] =	stream.linear.gather [hbm4b:s1+s0], $0x400, $0x38;
	[tilespmem:$0x1F000] =	vst v63  }
0xe5: {  	_ =	swait.ge [sflag:s31], $0x1800  }
0xe6: {  	[sflag:s31] =	ssyncset.done $0x0  }
0xe7: {  	[sflag:s31] =	ssyncadd.s32 $0xFFFFE800  }
0xe8: {  	_ =	swait.ge [sflag:s29], $0x4000  }
0xe9: {  	[sflag:s29] =	ssyncset.done $0x0  }
0xea: {  	s5 =	simm.s32 $0x11800;
	[sflag:s29] =	ssyncadd.s32 $0xFFFFC000  }
0xeb: {  	[tilespmem:s9], [sflag:$0x1] =	stream.indirect.gather [spmem:s2], $0x80, s5, s8, $0xb8;
	[tilespmem:$0x1F000] =	vst v63  }
0xec: {  	_ =	swait.ge [sflag:s30], $0x4000  }
0xed: {  	[sflag:s30] =	ssyncset.done $0x0  }
0xee: {  	s6 =	simm.s32 $0x11880;
	[sflag:s30] =	ssyncadd.s32 $0xFFFFC000  }
0xef: {  	[tilespmem:s23], [sflag:$0x2] =	stream.indirect.gather [spmem:s2], $0x80, s6, s8, $0xb8;
	[tilespmem:$0x1F000] =	vst v63  }
0xf0: {  	_ =	swait.ge [sflag:s22], $0x4000  }
0xf1: {  	[sflag:s22] =	ssyncset.done $0x0  }
0xf2: {  	s1 =	simm.s32 $0x11900;
	[sflag:s22] =	ssyncadd.s32 $0xFFFFC000  }
0xf3: {  	[tilespmem:s25], [sflag:$0x3] =	stream.indirect.gather [spmem:s2], $0x80, s1, s8, $0xb8;
	[tilespmem:$0x1F000] =	vst v63  }
0xf4: {  	_ =	swait.ge [sflag:s26], $0x4000  }
0xf5: {  	[sflag:s26] =	ssyncset.done $0x0  }
0xf6: {  	s5 =	sadd.s32 $0x0, s21;
	[sflag:s26] =	ssyncadd.s32 $0xFFFFC000  }
0xf7: {  	[hbm4b:s5+s3] =	stream.linear.scatter [tilespmem:s9], [sflag:$0x4], $0x4000, $0x38;
	[tilespmem:$0x1F000] =	vst v63  }
0xf8: {  	_ =	swait.ge [sflag:s7], $0x4000  }
0xf9: {  	[sflag:s7] =	ssyncset.done $0x0  }
0xfa: {  	s6 =	sadd.s32 $0x0, s20;
	[sflag:s7] =	ssyncadd.s32 $0xFFFFC000  }
0xfb: {  	[hbm4b:s6+s3] =	stream.linear.scatter [tilespmem:s23], [sflag:$0x5], $0x4000, $0x38;
	[tilespmem:$0x1F000] =	vst v63  }
0xfc: {  	_ =	swait.ge [sflag:s28], $0x4000  }
0xfd: {  	s0 =	simm.s32 $0x1800;
	[sflag:s28] =	ssyncset.done $0x0  }
0xfe: {  	s1 =	simm.s32 $0x11A80;
	s5 =	sadd.s32 $0x0, s19;
	[sflag:s28] =	ssyncadd.s32 $0xFFFFC000  }
.LBB2_8:
0xff: {  	[hbm4b:s5+s3] =	stream.linear.scatter [tilespmem:s25], [sflag:$0x6], $0x4000, $0x38;
	[tilespmem:$0x1F000] =	vst v63  }
0x100: {  	s5 =	smov.u32 s0  }
0x101: {  	p1 =	sne.s32 s0, $0x16800;
	s0 =	sadd.s32 $0x1800, s0;
	_ =	swait.ge [sflag:s29], $0x4000  }
0x102: {  	[sflag:s29] =	ssyncset.done $0x0  }
0x103: {  	s6 =	sadd.s32 $0xFFFFFF00, s1;
	[sflag:s29] =	ssyncadd.s32 $0xFFFFC000  }
0x104: {  	[tilespmem:s9], [sflag:$0x1] =	stream.indirect.gather [spmem:s2], $0x80, s6, s8, $0xb8;
	[tilespmem:$0x1F000] =	vst v63  }
0x105: {  	_ =	swait.ge [sflag:s30], $0x4000  }
0x106: {  	[sflag:s30] =	ssyncset.done $0x0  }
0x107: {  	s6 =	sadd.s32 $0xFFFFFF80, s1;
	[sflag:s30] =	ssyncadd.s32 $0xFFFFC000  }
0x108: {  	[tilespmem:s23], [sflag:$0x2] =	stream.indirect.gather [spmem:s2], $0x80, s6, s8, $0xb8;
	[tilespmem:$0x1F000] =	vst v63  }
0x109: {  	_ =	swait.ge [sflag:s22], $0x4000  }
0x10a: {  	[sflag:s22] =	ssyncset.done $0x0  }
0x10b: {  	[sflag:s22] =	ssyncadd.s32 $0xFFFFC000  }
0x10c: {  	[tilespmem:s25], [sflag:$0x3] =	stream.indirect.gather [spmem:s2], $0x80, s1, s8, $0xb8;
	[tilespmem:$0x1F000] =	vst v63  }
0x10d: {  	_ =	swait.ge [sflag:s26], $0x4000  }
0x10e: {  	[sflag:s26] =	ssyncset.done $0x0  }
0x10f: {  	s6 =	sadd.s32 s5, s21;
	[sflag:s26] =	ssyncadd.s32 $0xFFFFC000  }
0x110: {  	[hbm4b:s6+s3] =	stream.linear.scatter [tilespmem:s9], [sflag:$0x4], $0x4000, $0x38;
	[tilespmem:$0x1F000] =	vst v63  }
0x111: {  	_ =	swait.ge [sflag:s7], $0x4000  }
0x112: {  	[sflag:s7] =	ssyncset.done $0x0  }
.Ltmp3:
0x113: {  	s6 =	sadd.s32 s5, s20;
	[sflag:s7] =	ssyncadd.s32 $0xFFFFC000;
	(pc) =	sbr.rel @p1 .LBB2_8-.Ltmp3, $4  }
0x114: {  	[hbm4b:s6+s3] =	stream.linear.scatter [tilespmem:s23], [sflag:$0x5], $0x4000, $0x38;
	[tilespmem:$0x1F000] =	vst v63  }
0x115: {  	_ =	swait.ge [sflag:s28], $0x4000  }
0x116: {  	[sflag:s28] =	ssyncset.done $0x0  }
0x117: {  	s1 =	sadd.s32 $0x180, s1;
	s5 =	sadd.s32 s5, s19;
	[sflag:s28] =	ssyncadd.s32 $0xFFFFC000  }
0x118: {  	[hbm4b:s5+s3] =	stream.linear.scatter [tilespmem:s25], [sflag:$0x6], $0x4000, $0x38;
	[tilespmem:$0x1F000] =	vst v63  }
0x119: {  	_ =	swait.ge [sflag:s31], $0x400  }
0x11a: {  	[sflag:s31] =	ssyncset.done $0x0  }
0x11b: {  	[sflag:s31] =	ssyncadd.s32 $0xFFFFFC00  }
0x11c: {  	_ =	swait.ge [sflag:s29], $0x4000  }
0x11d: {  	[sflag:s29] =	ssyncset.done $0x0  }
0x11e: {  	[sflag:s29] =	ssyncadd.s32 $0xFFFFC000  }
0x11f: {  	[tilespmem:s9], [sflag:$0x1] =	stream.indirect.gather [spmem:s2], $0x80, s4, s8, $0xb8;
	[tilespmem:$0x1F000] =	vst v63  }
0x120: {  	_ =	swait.ge [sflag:s30], $0x4000  }
0x121: {  	[sflag:s30] =	ssyncset.done $0x0  }
0x122: {  	s6 =	simm.s32 $0x10080;
	[sflag:s30] =	ssyncadd.s32 $0xFFFFC000  }
0x123: {  	[tilespmem:s23], [sflag:$0x2] =	stream.indirect.gather [spmem:s2], $0x80, s6, s8, $0xb8;
	[tilespmem:$0x1F000] =	vst v63  }
0x124: {  	_ =	swait.ge [sflag:s22], $0x4000  }
0x125: {  	[sflag:s22] =	ssyncset.done $0x0  }
0x126: {  	s0 =	simm.s32 $0x10100;
	[sflag:s22] =	ssyncadd.s32 $0xFFFFC000  }
0x127: {  	[tilespmem:s25], [sflag:$0x3] =	stream.indirect.gather [spmem:s2], $0x80, s0, s8, $0xb8;
	[tilespmem:$0x1F000] =	vst v63  }
0x128: {  	_ =	swait.ge [sflag:s26], $0x4000  }
0x129: {  	[sflag:s26] =	ssyncset.done $0x0  }
0x12a: {  	s5 =	rddreg [dreg:$0xd];
	[sflag:s26] =	ssyncadd.s32 $0xFFFFC000  }
0x12b: {  	[hbm4b:s5+s3] =	stream.linear.scatter [tilespmem:s9], [sflag:$0x4], $0x4000, $0x38;
	[tilespmem:$0x1F000] =	vst v63  }
0x12c: {  	_ =	swait.ge [sflag:s7], $0x4000  }
0x12d: {  	[sflag:s7] =	ssyncset.done $0x0  }
0x12e: {  	s31 =	rddreg [dreg:$0xf];
	[sflag:s7] =	ssyncadd.s32 $0xFFFFC000  }
0x12f: {  	[hbm4b:s31+s3] =	stream.linear.scatter [tilespmem:s23], [sflag:$0x5], $0x4000, $0x38;
	[tilespmem:$0x1F000] =	vst v63  }
0x130: {  	_ =	swait.ge [sflag:s28], $0x4000  }
0x131: {  	[sflag:s28] =	ssyncset.done $0x0  }
0x132: {  	s1 =	rddreg [dreg:$0x10];
	[sflag:s28] =	ssyncadd.s32 $0xFFFFC000  }
0x133: {  	[hbm4b:s1+s3] =	stream.linear.scatter [tilespmem:s25], [sflag:$0x6], $0x4000, $0x38;
	[tilespmem:$0x1F000] =	vst v63  }
0x134: {  	_ =	swait.ge [sflag:s29], $0x4000  }
0x135: {  	[sflag:s29] =	ssyncset.done $0x0  }
0x136: {  	s4 =	simm.s32 $0x10180;
	[sflag:s29] =	ssyncadd.s32 $0xFFFFC000  }
0x137: {  	[tilespmem:s9], [sflag:$0x1] =	stream.indirect.gather [spmem:s2], $0x80, s4, s8, $0xb8;
	[tilespmem:$0x1F000] =	vst v63  }
0x138: {  	_ =	swait.ge [sflag:s30], $0x4000  }
0x139: {  	[sflag:s30] =	ssyncset.done $0x0  }
0x13a: {  	s5 =	simm.s32 $0x10200;
	[sflag:s30] =	ssyncadd.s32 $0xFFFFC000  }
0x13b: {  	[tilespmem:s23], [sflag:$0x2] =	stream.indirect.gather [spmem:s2], $0x80, s5, s8, $0xb8;
	[tilespmem:$0x1F000] =	vst v63  }
0x13c: {  	_ =	swait.ge [sflag:s22], $0x4000  }
0x13d: {  	[sflag:s22] =	ssyncset.done $0x0  }
0x13e: {  	s31 =	simm.s32 $0x10280;
	[sflag:s22] =	ssyncadd.s32 $0xFFFFC000  }
0x13f: {  	[tilespmem:s25], [sflag:$0x3] =	stream.indirect.gather [spmem:s2], $0x80, s31, s8, $0xb8;
	[tilespmem:$0x1F000] =	vst v63  }
0x140: {  	_ =	swait.ge [sflag:s26], $0x4000  }
0x141: {  	[sflag:s26] =	ssyncset.done $0x0  }
0x142: {  	s1 =	rddreg [dreg:$0x11];
	[sflag:s26] =	ssyncadd.s32 $0xFFFFC000  }
0x143: {  	[hbm4b:s1+s3] =	stream.linear.scatter [tilespmem:s9], [sflag:$0x4], $0x4000, $0x38;
	[tilespmem:$0x1F000] =	vst v63  }
0x144: {  	_ =	swait.ge [sflag:s7], $0x4000  }
0x145: {  	[sflag:s7] =	ssyncset.done $0x0  }
0x146: {  	s4 =	rddreg [dreg:$0x12];
	[sflag:s7] =	ssyncadd.s32 $0xFFFFC000  }
0x147: {  	[hbm4b:s4+s3] =	stream.linear.scatter [tilespmem:s23], [sflag:$0x5], $0x4000, $0x38;
	[tilespmem:$0x1F000] =	vst v63  }
0x148: {  	_ =	swait.ge [sflag:s28], $0x4000  }
0x149: {  	[sflag:s28] =	ssyncset.done $0x0  }
0x14a: {  	s5 =	rddreg [dreg:$0x13];
	[sflag:s28] =	ssyncadd.s32 $0xFFFFC000  }
0x14b: {  	[hbm4b:s5+s3] =	stream.linear.scatter [tilespmem:s25], [sflag:$0x6], $0x4000, $0x38;
	[tilespmem:$0x1F000] =	vst v63  }
0x14c: {  	_ =	swait.ge [sflag:s29], $0x4000  }
0x14d: {  	[sflag:s29] =	ssyncset.done $0x0  }
0x14e: {  	s31 =	simm.s32 $0x10300;
	[sflag:s29] =	ssyncadd.s32 $0xFFFFC000  }
0x14f: {  	[tilespmem:s9], [sflag:$0x1] =	stream.indirect.gather [spmem:s2], $0x80, s31, s8, $0xb8;
	[tilespmem:$0x1F000] =	vst v63  }
0x150: {  	_ =	swait.ge [sflag:s22], $0x4000  }
0x151: {  	[sflag:s22] =	ssyncset.done $0x0  }
0x152: {  	s1 =	simm.s32 $0x10380;
	[sflag:s22] =	ssyncadd.s32 $0xFFFFC000  }
0x153: {  	[tilespmem:s25], [sflag:$0x3] =	stream.indirect.gather [spmem:s2], $0x80, s1, s8, $0xb8;
	[tilespmem:$0x1F000] =	vst v63  }
0x154: {  	_ =	swait.ge [sflag:s26], $0x4000  }
0x155: {  	[sflag:s26] =	ssyncset.done $0x0  }
0x156: {  	s4 =	rddreg [dreg:$0x14];
	[sflag:s26] =	ssyncadd.s32 $0xFFFFC000  }
0x157: {  	[hbm4b:s4+s3] =	stream.linear.scatter [tilespmem:s9], [sflag:$0x4], $0x4000, $0x38;
	[tilespmem:$0x1F000] =	vst v63  }
0x158: {  	_ =	swait.ge [sflag:s28], $0x4000  }
0x159: {  	[sflag:s28] =	ssyncset.done $0x0  }
0x15a: {  	s5 =	rddreg [dreg:$0x15];
	[sflag:s28] =	ssyncadd.s32 $0xFFFFC000  }
0x15b: {  	[hbm4b:s5+s3] =	stream.linear.scatter [tilespmem:s25], [sflag:$0x6], $0x4000, $0x38;
	[tilespmem:$0x1F000] =	vst v63  }
0x15c: {  	_ =	swait.ge [sflag:s29], $0x4000  }
0x15d: {  	[sflag:s29] =	ssyncset.done $0x0  }
0x15e: {  	[sflag:s29] =	ssyncadd.s32 $0xFFFFC000  }
0x15f: {  	_ =	swait.ge [sflag:s30], $0x4000  }
0x160: {  	[sflag:s30] =	ssyncset.done $0x0  }
0x161: {  	[sflag:s30] =	ssyncadd.s32 $0xFFFFC000  }
0x162: {  	_ =	swait.ge [sflag:s22], $0x4000  }
0x163: {  	s1 =	rddreg [dreg:$0x16]  }
0x164: {  	s31 =	rddreg [dreg:$0xe];
	s1 =	sadd.s32 $0x1, s1  }
0x165: {  	p1 =	sne.s32 s1, s31  }
.Ltmp4:
0x166: {  	_ = 	snop;
	(pc) =	sbr.rel @p1 .LBB2_1-.Ltmp4, $3  }
0x167: {  	_ =	sdelay $0x1  }
0x168: {  	[sflag:s22] =	ssyncset.done $0x0  }
0x169: {  	[sflag:s22] =	ssyncadd.s32 $0xFFFFC000  }
0x16a: {  	_ =	sfence.sel $0x180000  }
0x16b: {  	[bflag:$0x0] =	sbarrier.arrive $0xFFFF  }
0x16c: {  	_ =	strace $0x90000047  }
0x16d: {  	[bflag:$0x2] =	sbarrier.arrive $0xFFFF  }
0x16e: {  	s0 =	rddreg [dreg:$0x4]  }
0x16f: {  	s0 =	sadd.s32 @!p0 $0x100000, s0  }
0x170: {  	[sflag:s0] =	ssyncadd.tile.s32 @!p0 $0x1;
	_ =	shalt  }
.Lfunc_end2:
_tile_overlayer_lowered:
.L_overlay_start_2:
0x171: {  	(tag) =	ssettag $0x2  }
0x172: {  	s0 =	rddreg [dreg:$0x0];
	s2 =	stileid.u32  }
0x173: {  	s1 =	rddreg [dreg:$0x1];
	p0 =	sne.s32 s2, $0x0  }
0x174: {  	s3 =	rddreg [dreg:$0x2];
	[bflag:$0x3] =	sbarrier.arrive $0xFFFF;
	s2 =	simm.s32 @!p0 $0x1C08  }
0x175: {  	[timem:s3], [sflag:s2] =	dma.local @!p0 [hbm:s0], s1  }
0x176: {  	s0 =	simm.s32 @!p0 $0x8  }
0x177: {  	_ =	swait.ge @!p0 [sflag:s0], s1  }
0x178: {  	s1 =	ssub.s32 @!p0 $0x0, s1;
	[sflag:s0] =	ssyncset.done @!p0 $0x0  }
0x179: {  	[sflag:s0] =	ssyncadd.s32 @!p0 s1  }
0x17a: {  	[bflag:$0x3] =	sbarrier.arrive $0xFFFF  }
0x17b: {  	_ =	shalt  }

</sc_bundles>
